<compile_context>
chip_gen: v7x
topology: tpu7x:2x2x1
jax: 0.10.2.dev20260603
libtpu: 0.0.44.dev20260713+nightly
codegen_flags: <defaults>
</compile_context>

<pallas_src>
import functools

import jax
import jax.numpy as jnp
from jax import lax
from jax.experimental import pallas as pl
from jax.experimental.pallas import tpu as pltpu
from jax.experimental.pallas import tpu_sc as plsc

VOCAB = 1_000_000
EMB = 64
CTX = 2
B = 1024
L = 20

NC = 2
NS = 16
NW = NC * NS
ROWS_PER_W = B // NW
IDX_PER_W = ROWS_PER_W * L
LANES = 16
KCOL = EMB // LANES
TGRP = 8
FGRP = 16


def _cbow_body(x_hbm, w_hbm, out_hbm, idx_v, rows_v, w0_v, out_v, sem):
    wid = lax.axis_index("s") * NC + lax.axis_index("c")

    pltpu.sync_copy(x_hbm.at[wid], idx_v.at[pl.ds(0, IDX_PER_W)])
    pltpu.sync_copy(w_hbm.at[0, pl.ds(0, 1)], w0_v)

    def fire(g, cc):
        tv = idx_v[pl.ds(g * FGRP, FGRP)]
        for l in range(FGRP):
            tok = tv[l]
            tid = lax.shift_right_logical(tok, 3)
            w = tok & (TGRP - 1)
            pltpu.async_copy(
                w_hbm.at[tid, pl.ds(w, 1)],
                rows_v.at[pl.ds(g * FGRP + l, 1)],
                sem,
            )
        return cc

    lax.fori_loop(0, IDX_PER_W // FGRP, fire, 0)

    def drain(t, cc):
        pltpu.make_async_copy(
            w_hbm.at[0, pl.ds(0, 1)], rows_v.at[pl.ds(t, 1)], sem
        ).wait()
        return cc

    lax.fori_loop(0, IDX_PER_W, drain, 0)

    w0s = [
        jnp.reshape(w0_v[pl.ds(0, 1), pl.ds(k * LANES, LANES)], (LANES,))
        for k in range(KCOL)
    ]

    def body(b, cc):
        base = b * L

        def rload(j, k):
            return jnp.reshape(
                rows_v[pl.ds(base + j, 1), pl.ds(k * LANES, LANES)],
                (LANES,),
            )

        for k in range(KCOL):
            col = pl.ds(k * LANES, LANES)
            r = [rload(j, k) for j in range(L)]
            w0 = w0s[k]
            s = r[0]
            for j in range(1, L):
                s = s + r[j]
            t = s + w0
            o0 = t - r[L - 1]
            o1 = o0 + w0 - r[L - 2]
            o2 = t - r[0]
            o3 = o2 + w0 - r[1]
            out_v[b, 0, col] = o0
            out_v[b, 1, col] = o1
            out_v[b, 2, col] = o2
            out_v[b, 3, col] = o3
        return cc

    lax.fori_loop(0, ROWS_PER_W, body, 0)

    pltpu.sync_copy(out_v, out_hbm.at[pl.ds(wid * ROWS_PER_W, ROWS_PER_W)])


def kernel(x, W):
    x2 = x.reshape(NW, IDX_PER_W).astype(jnp.int32)
    W3 = W.reshape(VOCAB // TGRP, TGRP, EMB)
    mesh = plsc.VectorSubcoreMesh(core_axis_name="c", subcore_axis_name="s")
    f = functools.partial(
        pl.kernel,
        mesh=mesh,
        out_type=jax.ShapeDtypeStruct((B, 2 * CTX, EMB), jnp.float32),
        scratch_types=[
            pltpu.VMEM((IDX_PER_W + LANES,), jnp.int32),
            pltpu.VMEM((IDX_PER_W, EMB), jnp.float32),
            pltpu.VMEM((1, EMB), jnp.float32),
            pltpu.VMEM((ROWS_PER_W, 2 * CTX, EMB), jnp.float32),
            pltpu.SemaphoreType.DMA,
        ],
        compiler_params=pltpu.CompilerParams(use_tc_tiling_on_sc=True),
    )(_cbow_body)
    return f(x2, W3)

# --- scband reference (transcript-rebuilt; emitter-appended) ---
"""Pipeline reference for scband-cbow-60593398612478 (READ-ONLY COPY).

The authoritative reference and input builder live on the scoring server;
editing this copy changes nothing except your own understanding.
"""

import jax, jax.numpy as jnp
import numpy as np

VOCAB = 1000000
EMB = 64
CTX = 2
B = 1024
L = 20


def setup_inputs(seed: int = 0) -> dict:
    key = jax.random.key(seed)
    kx, kw = jax.random.split(key)
    x = jax.random.randint(kx, (B, L), 0, VOCAB)
    W = jax.random.normal(kw, (VOCAB, EMB), dtype=jnp.float32) * 0.02
    return {"x": x, "W": W}


def reference(x, W):
    # Faithful translation of CBOW.forward.
    # For each position j, context indices are:
    #   [x[j-1], ..., x[j-CTX], x[j+1], ..., x[j+CTX]]
    # with out-of-range positions replaced by token id 0.
    Bn, Ln = x.shape
    offs = jnp.concatenate([-jnp.arange(1, CTX + 1), jnp.arange(1, CTX + 1)])  # [2*CTX]
    pos = jnp.arange(Ln)[:, None] + offs[None, :]  # [L, 2*CTX]
    valid = (pos >= 0) & (pos < Ln)
    pos_clipped = jnp.clip(pos, 0, Ln - 1)
    # gather token ids: [B, L, 2*CTX]
    ctx_tok = x[:, pos_clipped]
    ctx_tok = jnp.where(valid[None, :, :], ctx_tok, 0)
    # embedding lookup: [B, L, 2*CTX, EMB]
    emb = jnp.take(W, ctx_tok, axis=0)
    # torch code sums over dim=1 (the sequence dimension) -> [B, 2*CTX, EMB]
    out = jnp.sum(emb, axis=1)
    return out

if __name__ == "__main__":
    import jax
    _d = setup_inputs()
    print(jax.jit(kernel)(*tuple(_d.values())))

</pallas_src>

<mosaic_0001>
#map = affine_map<(d0, d1) -> (0, 0)>
#map1 = affine_map<(d0, d1) -> (0, 0, 0)>
module attributes {stable_mosaic.version = 14 : i64} {
  func.func @_cbow_body(%arg0: i32, %arg1: i32, %arg2: memref<32x640xi32, #tpu.memory_space<hbm>>, %arg3: memref<125000x8x64xf32, #tpu.memory_space<hbm>>, %arg4: memref<1024x4x64xf32, #tpu.memory_space<hbm>>, %arg5: memref<656xi32, #tpu.memory_space<vmem>>, %arg6: memref<640x64xf32, #tpu.memory_space<vmem>>, %arg7: memref<1x64xf32, #tpu.memory_space<vmem>>, %arg8: memref<32x4x64xf32, #tpu.memory_space<vmem>>, %arg9: memref<!tpu.dma_semaphore, #tpu.memory_space<semaphore_mem>>) attributes {dimension_semantics = [#tpu.dimension_semantics<core_parallel>, #tpu.dimension_semantics<subcore_parallel>], iteration_bounds = array<i64: 2, 16>, scalar_prefetch = 0 : i64, scratch_operands = 5 : i64, tpu.core_type = #tpu.core_type<sc_vector_subcore>, window_params = [{transform_indices = #map}, {transform_indices = #map1}, {transform_indices = #map1}]} {
    %mul3A = arith.constant 2 : i32
    %mul3A_0 = arith.muli %arg1, %mul3A : i32
    %add3A = arith.addi %mul3A_0, %arg0 : i32
    "tpu.region"() ({
      %run_scoped3A_38 = tpu.sem_alloc : memref<!tpu.dma_semaphore, #tpu.memory_space<semaphore_mem>>
      %dma_start3A = arith.constant 0 : i32
      %dma_start3A_39 = tpu.memref_slice %arg5[%dma_start3A] : memref<656xi32, #tpu.memory_space<vmem>> -> memref<640xi32, #tpu.memory_space<vmem>>
      %dma_start3A_40 = arith.constant 0 : i32
      %dma_start3A_41 = tpu.memref_slice %arg2[%add3A, %dma_start3A_40] : memref<32x640xi32, #tpu.memory_space<hbm>> -> memref<1x640xi32, #tpu.memory_space<hbm>>
      %dma_start3A_42 = tpu.memref_squeeze %dma_start3A_41 : memref<1x640xi32, #tpu.memory_space<hbm>> -> memref<640xi32, #tpu.memory_space<hbm>>
      %dma_start3A_43 = arith.constant 0 : i32
      %dma_start3A_44 = tpu.memref_slice %arg5[%dma_start3A_43] : memref<656xi32, #tpu.memory_space<vmem>> -> memref<640xi32, #tpu.memory_space<vmem>>
      %dma_start3A_45 = arith.constant 0 : i32
      %dma_start3A_46 = tpu.memref_slice %arg2[%add3A, %dma_start3A_45] : memref<32x640xi32, #tpu.memory_space<hbm>> -> memref<1x640xi32, #tpu.memory_space<hbm>>
      %dma_start3A_47 = tpu.memref_squeeze %dma_start3A_46 : memref<1x640xi32, #tpu.memory_space<hbm>> -> memref<640xi32, #tpu.memory_space<hbm>>
      tpu.enqueue_dma source(%dma_start3A_47 : memref<640xi32, #tpu.memory_space<hbm>>) target(%dma_start3A_44 : memref<640xi32, #tpu.memory_space<vmem>>) target_semaphore(%run_scoped3A_38 : memref<!tpu.dma_semaphore, #tpu.memory_space<semaphore_mem>>)
      %dma_wait3A = arith.constant 0 : i32
      %dma_wait3A_48 = tpu.memref_slice %arg5[%dma_wait3A] : memref<656xi32, #tpu.memory_space<vmem>> -> memref<640xi32, #tpu.memory_space<vmem>>
      %dma_wait3A_49 = arith.constant 0 : i32
      %dma_wait3A_50 = tpu.memref_slice %arg2[%add3A, %dma_wait3A_49] : memref<32x640xi32, #tpu.memory_space<hbm>> -> memref<1x640xi32, #tpu.memory_space<hbm>>
      %dma_wait3A_51 = tpu.memref_squeeze %dma_wait3A_50 : memref<1x640xi32, #tpu.memory_space<hbm>> -> memref<640xi32, #tpu.memory_space<hbm>>
      %dma_wait3A_52 = arith.constant 0 : i32
      %dma_wait3A_53 = tpu.memref_slice %arg5[%dma_wait3A_52] : memref<656xi32, #tpu.memory_space<vmem>> -> memref<640xi32, #tpu.memory_space<vmem>>
      %dma_wait3A_54 = arith.constant 0 : i32
      %dma_wait3A_55 = tpu.memref_slice %arg2[%add3A, %dma_wait3A_54] : memref<32x640xi32, #tpu.memory_space<hbm>> -> memref<1x640xi32, #tpu.memory_space<hbm>>
      %dma_wait3A_56 = tpu.memref_squeeze %dma_wait3A_55 : memref<1x640xi32, #tpu.memory_space<hbm>> -> memref<640xi32, #tpu.memory_space<hbm>>
      tpu.wait_dma2 semaphore(%run_scoped3A_38 : memref<!tpu.dma_semaphore, #tpu.memory_space<semaphore_mem>>) src(%dma_wait3A_56 : memref<640xi32, #tpu.memory_space<hbm>>) dst(%dma_wait3A_53 : memref<640xi32, #tpu.memory_space<vmem>>)
      tpu.yield
    }) : () -> ()
    %run_scoped3A = arith.constant 0 : i32
    "tpu.region"() ({
      %run_scoped3A_38 = tpu.sem_alloc : memref<!tpu.dma_semaphore, #tpu.memory_space<semaphore_mem>>
      %dma_start3A = arith.constant 0 : i32
      %dma_start3A_39 = arith.constant 0 : i32
      %dma_start3A_40 = tpu.memref_slice %arg3[%run_scoped3A, %dma_start3A, %dma_start3A_39] : memref<125000x8x64xf32, #tpu.memory_space<hbm>> -> memref<1x1x64xf32, #tpu.memory_space<hbm>>
      %dma_start3A_41 = tpu.memref_squeeze %dma_start3A_40 : memref<1x1x64xf32, #tpu.memory_space<hbm>> -> memref<1x64xf32, #tpu.memory_space<hbm>>
      %dma_start3A_42 = arith.constant 0 : i32
      %dma_start3A_43 = arith.constant 0 : i32
      %dma_start3A_44 = tpu.memref_slice %arg3[%run_scoped3A, %dma_start3A_42, %dma_start3A_43] : memref<125000x8x64xf32, #tpu.memory_space<hbm>> -> memref<1x1x64xf32, #tpu.memory_space<hbm>>
      %dma_start3A_45 = tpu.memref_squeeze %dma_start3A_44 : memref<1x1x64xf32, #tpu.memory_space<hbm>> -> memref<1x64xf32, #tpu.memory_space<hbm>>
      tpu.enqueue_dma source(%dma_start3A_45 : memref<1x64xf32, #tpu.memory_space<hbm>>) target(%arg7 : memref<1x64xf32, #tpu.memory_space<vmem>>) target_semaphore(%run_scoped3A_38 : memref<!tpu.dma_semaphore, #tpu.memory_space<semaphore_mem>>)
      %dma_wait3A = arith.constant 0 : i32
      %dma_wait3A_46 = arith.constant 0 : i32
      %dma_wait3A_47 = tpu.memref_slice %arg3[%run_scoped3A, %dma_wait3A, %dma_wait3A_46] : memref<125000x8x64xf32, #tpu.memory_space<hbm>> -> memref<1x1x64xf32, #tpu.memory_space<hbm>>
      %dma_wait3A_48 = tpu.memref_squeeze %dma_wait3A_47 : memref<1x1x64xf32, #tpu.memory_space<hbm>> -> memref<1x64xf32, #tpu.memory_space<hbm>>
      %dma_wait3A_49 = arith.constant 0 : i32
      %dma_wait3A_50 = arith.constant 0 : i32
      %dma_wait3A_51 = tpu.memref_slice %arg3[%run_scoped3A, %dma_wait3A_49, %dma_wait3A_50] : memref<125000x8x64xf32, #tpu.memory_space<hbm>> -> memref<1x1x64xf32, #tpu.memory_space<hbm>>
      %dma_wait3A_52 = tpu.memref_squeeze %dma_wait3A_51 : memref<1x1x64xf32, #tpu.memory_space<hbm>> -> memref<1x64xf32, #tpu.memory_space<hbm>>
      tpu.wait_dma2 semaphore(%run_scoped3A_38 : memref<!tpu.dma_semaphore, #tpu.memory_space<semaphore_mem>>) src(%dma_wait3A_52 : memref<1x64xf32, #tpu.memory_space<hbm>>) dst(%arg7 : memref<1x64xf32, #tpu.memory_space<vmem>>)
      tpu.yield
    }) : () -> ()
    %scan3A = arith.constant 0 : i32
    %scan3A_1 = arith.constant 0 : i32
    %scan3A_2 = arith.constant 40 : i32
    %scan3A_3 = arith.addi %scan3A_1, %scan3A_2 : i32
    %scan3A_4 = arith.constant 1 : i32
    scf.for %scan3A_38 = %scan3A_1 to %scan3A_3 step %scan3A_4  : i32 {
      %mul3A_39 = arith.constant 16 : i32
      %mul3A_40 = arith.muli %scan3A_38, %mul3A_39 : i32
      %get3A_41 = arith.index_cast %mul3A_40 : i32 to index
      %get3A_42 = tpu.vector_load %arg5[%get3A_41] {strides = array<i32>} : memref<656xi32, #tpu.memory_space<vmem>>, vector<16xi32>,
      %get3A_43 = vector.shape_cast %get3A_42 : vector<16xi32> to vector<16xi32>
      %slice3A = vector.extract_strided_slice %get3A_43 {offsets = [0], sizes = [1], strides = [1]} : vector<16xi32> to vector<1xi32>
      %squeeze3A = vector.extract %slice3A[0] : i32 from vector<1xi32>
      %shift_right_logical3A = arith.constant 3 : i32
      %shift_right_logical3A_44 = arith.shrui %squeeze3A, %shift_right_logical3A : i32
      %and3A = arith.constant 7 : i32
      %and3A_45 = arith.andi %squeeze3A, %and3A : i32
      %mul3A_46 = arith.constant 16 : i32
      %mul3A_47 = arith.muli %scan3A_38, %mul3A_46 : i32
      %add3A_48 = arith.constant 0 : i32
      %add3A_49 = arith.addi %mul3A_47, %add3A_48 : i32
      %dma_start3A = arith.constant 0 : i32
      %dma_start3A_50 = tpu.memref_slice %arg6[%add3A_49, %dma_start3A] : memref<640x64xf32, #tpu.memory_space<vmem>> -> memref<1x64xf32, #tpu.memory_space<vmem>>
      %dma_start3A_51 = arith.constant 0 : i32
      %dma_start3A_52 = tpu.memref_slice %arg3[%shift_right_logical3A_44, %and3A_45, %dma_start3A_51] : memref<125000x8x64xf32, #tpu.memory_space<hbm>> -> memref<1x1x64xf32, #tpu.memory_space<hbm>>
      %dma_start3A_53 = tpu.memref_squeeze %dma_start3A_52 : memref<1x1x64xf32, #tpu.memory_space<hbm>> -> memref<1x64xf32, #tpu.memory_space<hbm>>
      %dma_start3A_54 = arith.constant 0 : i32
      %dma_start3A_55 = tpu.memref_slice %arg6[%add3A_49, %dma_start3A_54] : memref<640x64xf32, #tpu.memory_space<vmem>> -> memref<1x64xf32, #tpu.memory_space<vmem>>
      %dma_start3A_56 = arith.constant 0 : i32
      %dma_start3A_57 = tpu.memref_slice %arg3[%shift_right_logical3A_44, %and3A_45, %dma_start3A_56] : memref<125000x8x64xf32, #tpu.memory_space<hbm>> -> memref<1x1x64xf32, #tpu.memory_space<hbm>>
      %dma_start3A_58 = tpu.memref_squeeze %dma_start3A_57 : memref<1x1x64xf32, #tpu.memory_space<hbm>> -> memref<1x64xf32, #tpu.memory_space<hbm>>
      tpu.enqueue_dma source(%dma_start3A_58 : memref<1x64xf32, #tpu.memory_space<hbm>>) target(%dma_start3A_55 : memref<1x64xf32, #tpu.memory_space<vmem>>) target_semaphore(%arg9 : memref<!tpu.dma_semaphore, #tpu.memory_space<semaphore_mem>>)
      %slice3A_59 = vector.extract_strided_slice %get3A_43 {offsets = [1], sizes = [1], strides = [1]} : vector<16xi32> to vector<1xi32>
      %squeeze3A_60 = vector.extract %slice3A_59[0] : i32 from vector<1xi32>
      %shift_right_logical3A_61 = arith.constant 3 : i32
      %shift_right_logical3A_62 = arith.shrui %squeeze3A_60, %shift_right_logical3A_61 : i32
      %and3A_63 = arith.constant 7 : i32
      %and3A_64 = arith.andi %squeeze3A_60, %and3A_63 : i32
      %mul3A_65 = arith.constant 16 : i32
      %mul3A_66 = arith.muli %scan3A_38, %mul3A_65 : i32
      %add3A_67 = arith.constant 1 : i32
      %add3A_68 = arith.addi %mul3A_66, %add3A_67 : i32
      %dma_start3A_69 = arith.constant 0 : i32
      %dma_start3A_70 = tpu.memref_slice %arg6[%add3A_68, %dma_start3A_69] : memref<640x64xf32, #tpu.memory_space<vmem>> -> memref<1x64xf32, #tpu.memory_space<vmem>>
      %dma_start3A_71 = arith.constant 0 : i32
      %dma_start3A_72 = tpu.memref_slice %arg3[%shift_right_logical3A_62, %and3A_64, %dma_start3A_71] : memref<125000x8x64xf32, #tpu.memory_space<hbm>> -> memref<1x1x64xf32, #tpu.memory_space<hbm>>
      %dma_start3A_73 = tpu.memref_squeeze %dma_start3A_72 : memref<1x1x64xf32, #tpu.memory_space<hbm>> -> memref<1x64xf32, #tpu.memory_space<hbm>>
      %dma_start3A_74 = arith.constant 0 : i32
      %dma_start3A_75 = tpu.memref_slice %arg6[%add3A_68, %dma_start3A_74] : memref<640x64xf32, #tpu.memory_space<vmem>> -> memref<1x64xf32, #tpu.memory_space<vmem>>
      %dma_start3A_76 = arith.constant 0 : i32
      %dma_start3A_77 = tpu.memref_slice %arg3[%shift_right_logical3A_62, %and3A_64, %dma_start3A_76] : memref<125000x8x64xf32, #tpu.memory_space<hbm>> -> memref<1x1x64xf32, #tpu.memory_space<hbm>>
      %dma_start3A_78 = tpu.memref_squeeze %dma_start3A_77 : memref<1x1x64xf32, #tpu.memory_space<hbm>> -> memref<1x64xf32, #tpu.memory_space<hbm>>
      tpu.enqueue_dma source(%dma_start3A_78 : memref<1x64xf32, #tpu.memory_space<hbm>>) target(%dma_start3A_75 : memref<1x64xf32, #tpu.memory_space<vmem>>) target_semaphore(%arg9 : memref<!tpu.dma_semaphore, #tpu.memory_space<semaphore_mem>>)
      %slice3A_79 = vector.extract_strided_slice %get3A_43 {offsets = [2], sizes = [1], strides = [1]} : vector<16xi32> to vector<1xi32>
      %squeeze3A_80 = vector.extract %slice3A_79[0] : i32 from vector<1xi32>
      %shift_right_logical3A_81 = arith.constant 3 : i32
      %shift_right_logical3A_82 = arith.shrui %squeeze3A_80, %shift_right_logical3A_81 : i32
      %and3A_83 = arith.constant 7 : i32
      %and3A_84 = arith.andi %squeeze3A_80, %and3A_83 : i32
      %mul3A_85 = arith.constant 16 : i32
      %mul3A_86 = arith.muli %scan3A_38, %mul3A_85 : i32
      %add3A_87 = arith.constant 2 : i32
      %add3A_88 = arith.addi %mul3A_86, %add3A_87 : i32
      %dma_start3A_89 = arith.constant 0 : i32
      %dma_start3A_90 = tpu.memref_slice %arg6[%add3A_88, %dma_start3A_89] : memref<640x64xf32, #tpu.memory_space<vmem>> -> memref<1x64xf32, #tpu.memory_space<vmem>>
      %dma_start3A_91 = arith.constant 0 : i32
      %dma_start3A_92 = tpu.memref_slice %arg3[%shift_right_logical3A_82, %and3A_84, %dma_start3A_91] : memref<125000x8x64xf32, #tpu.memory_space<hbm>> -> memref<1x1x64xf32, #tpu.memory_space<hbm>>
      %dma_start3A_93 = tpu.memref_squeeze %dma_start3A_92 : memref<1x1x64xf32, #tpu.memory_space<hbm>> -> memref<1x64xf32, #tpu.memory_space<hbm>>
      %dma_start3A_94 = arith.constant 0 : i32
      %dma_start3A_95 = tpu.memref_slice %arg6[%add3A_88, %dma_start3A_94] : memref<640x64xf32, #tpu.memory_space<vmem>> -> memref<1x64xf32, #tpu.memory_space<vmem>>
      %dma_start3A_96 = arith.constant 0 : i32
      %dma_start3A_97 = tpu.memref_slice %arg3[%shift_right_logical3A_82, %and3A_84, %dma_start3A_96] : memref<125000x8x64xf32, #tpu.memory_space<hbm>> -> memref<1x1x64xf32, #tpu.memory_space<hbm>>
      %dma_start3A_98 = tpu.memref_squeeze %dma_start3A_97 : memref<1x1x64xf32, #tpu.memory_space<hbm>> -> memref<1x64xf32, #tpu.memory_space<hbm>>
      tpu.enqueue_dma source(%dma_start3A_98 : memref<1x64xf32, #tpu.memory_space<hbm>>) target(%dma_start3A_95 : memref<1x64xf32, #tpu.memory_space<vmem>>) target_semaphore(%arg9 : memref<!tpu.dma_semaphore, #tpu.memory_space<semaphore_mem>>)
      %slice3A_99 = vector.extract_strided_slice %get3A_43 {offsets = [3], sizes = [1], strides = [1]} : vector<16xi32> to vector<1xi32>
      %squeeze3A_100 = vector.extract %slice3A_99[0] : i32 from vector<1xi32>
      %shift_right_logical3A_101 = arith.constant 3 : i32
      %shift_right_logical3A_102 = arith.shrui %squeeze3A_100, %shift_right_logical3A_101 : i32
      %and3A_103 = arith.constant 7 : i32
      %and3A_104 = arith.andi %squeeze3A_100, %and3A_103 : i32
      %mul3A_105 = arith.constant 16 : i32
      %mul3A_106 = arith.muli %scan3A_38, %mul3A_105 : i32
      %add3A_107 = arith.constant 3 : i32
      %add3A_108 = arith.addi %mul3A_106, %add3A_107 : i32
      %dma_start3A_109 = arith.constant 0 : i32
      %dma_start3A_110 = tpu.memref_slice %arg6[%add3A_108, %dma_start3A_109] : memref<640x64xf32, #tpu.memory_space<vmem>> -> memref<1x64xf32, #tpu.memory_space<vmem>>
      %dma_start3A_111 = arith.constant 0 : i32
      %dma_start3A_112 = tpu.memref_slice %arg3[%shift_right_logical3A_102, %and3A_104, %dma_start3A_111] : memref<125000x8x64xf32, #tpu.memory_space<hbm>> -> memref<1x1x64xf32, #tpu.memory_space<hbm>>
      %dma_start3A_113 = tpu.memref_squeeze %dma_start3A_112 : memref<1x1x64xf32, #tpu.memory_space<hbm>> -> memref<1x64xf32, #tpu.memory_space<hbm>>
      %dma_start3A_114 = arith.constant 0 : i32
      %dma_start3A_115 = tpu.memref_slice %arg6[%add3A_108, %dma_start3A_114] : memref<640x64xf32, #tpu.memory_space<vmem>> -> memref<1x64xf32, #tpu.memory_space<vmem>>
      %dma_start3A_116 = arith.constant 0 : i32
      %dma_start3A_117 = tpu.memref_slice %arg3[%shift_right_logical3A_102, %and3A_104, %dma_start3A_116] : memref<125000x8x64xf32, #tpu.memory_space<hbm>> -> memref<1x1x64xf32, #tpu.memory_space<hbm>>
      %dma_start3A_118 = tpu.memref_squeeze %dma_start3A_117 : memref<1x1x64xf32, #tpu.memory_space<hbm>> -> memref<1x64xf32, #tpu.memory_space<hbm>>
      tpu.enqueue_dma source(%dma_start3A_118 : memref<1x64xf32, #tpu.memory_space<hbm>>) target(%dma_start3A_115 : memref<1x64xf32, #tpu.memory_space<vmem>>) target_semaphore(%arg9 : memref<!tpu.dma_semaphore, #tpu.memory_space<semaphore_mem>>)
      %slice3A_119 = vector.extract_strided_slice %get3A_43 {offsets = [4], sizes = [1], strides = [1]} : vector<16xi32> to vector<1xi32>
      %squeeze3A_120 = vector.extract %slice3A_119[0] : i32 from vector<1xi32>
      %shift_right_logical3A_121 = arith.constant 3 : i32
      %shift_right_logical3A_122 = arith.shrui %squeeze3A_120, %shift_right_logical3A_121 : i32
      %and3A_123 = arith.constant 7 : i32
      %and3A_124 = arith.andi %squeeze3A_120, %and3A_123 : i32
      %mul3A_125 = arith.constant 16 : i32
      %mul3A_126 = arith.muli %scan3A_38, %mul3A_125 : i32
      %add3A_127 = arith.constant 4 : i32
      %add3A_128 = arith.addi %mul3A_126, %add3A_127 : i32
      %dma_start3A_129 = arith.constant 0 : i32
      %dma_start3A_130 = tpu.memref_slice %arg6[%add3A_128, %dma_start3A_129] : memref<640x64xf32, #tpu.memory_space<vmem>> -> memref<1x64xf32, #tpu.memory_space<vmem>>
      %dma_start3A_131 = arith.constant 0 : i32
      %dma_start3A_132 = tpu.memref_slice %arg3[%shift_right_logical3A_122, %and3A_124, %dma_start3A_131] : memref<125000x8x64xf32, #tpu.memory_space<hbm>> -> memref<1x1x64xf32, #tpu.memory_space<hbm>>
      %dma_start3A_133 = tpu.memref_squeeze %dma_start3A_132 : memref<1x1x64xf32, #tpu.memory_space<hbm>> -> memref<1x64xf32, #tpu.memory_space<hbm>>
      %dma_start3A_134 = arith.constant 0 : i32
      %dma_start3A_135 = tpu.memref_slice %arg6[%add3A_128, %dma_start3A_134] : memref<640x64xf32, #tpu.memory_space<vmem>> -> memref<1x64xf32, #tpu.memory_space<vmem>>
      %dma_start3A_136 = arith.constant 0 : i32
      %dma_start3A_137 = tpu.memref_slice %arg3[%shift_right_logical3A_122, %and3A_124, %dma_start3A_136] : memref<125000x8x64xf32, #tpu.memory_space<hbm>> -> memref<1x1x64xf32, #tpu.memory_space<hbm>>
      %dma_start3A_138 = tpu.memref_squeeze %dma_start3A_137 : memref<1x1x64xf32, #tpu.memory_space<hbm>> -> memref<1x64xf32, #tpu.memory_space<hbm>>
      tpu.enqueue_dma source(%dma_start3A_138 : memref<1x64xf32, #tpu.memory_space<hbm>>) target(%dma_start3A_135 : memref<1x64xf32, #tpu.memory_space<vmem>>) target_semaphore(%arg9 : memref<!tpu.dma_semaphore, #tpu.memory_space<semaphore_mem>>)
      %slice3A_139 = vector.extract_strided_slice %get3A_43 {offsets = [5], sizes = [1], strides = [1]} : vector<16xi32> to vector<1xi32>
      %squeeze3A_140 = vector.extract %slice3A_139[0] : i32 from vector<1xi32>
      %shift_right_logical3A_141 = arith.constant 3 : i32
      %shift_right_logical3A_142 = arith.shrui %squeeze3A_140, %shift_right_logical3A_141 : i32
      %and3A_143 = arith.constant 7 : i32
      %and3A_144 = arith.andi %squeeze3A_140, %and3A_143 : i32
      %mul3A_145 = arith.constant 16 : i32
      %mul3A_146 = arith.muli %scan3A_38, %mul3A_145 : i32
      %add3A_147 = arith.constant 5 : i32
      %add3A_148 = arith.addi %mul3A_146, %add3A_147 : i32
      %dma_start3A_149 = arith.constant 0 : i32
      %dma_start3A_150 = tpu.memref_slice %arg6[%add3A_148, %dma_start3A_149] : memref<640x64xf32, #tpu.memory_space<vmem>> -> memref<1x64xf32, #tpu.memory_space<vmem>>
      %dma_start3A_151 = arith.constant 0 : i32
      %dma_start3A_152 = tpu.memref_slice %arg3[%shift_right_logical3A_142, %and3A_144, %dma_start3A_151] : memref<125000x8x64xf32, #tpu.memory_space<hbm>> -> memref<1x1x64xf32, #tpu.memory_space<hbm>>
      %dma_start3A_153 = tpu.memref_squeeze %dma_start3A_152 : memref<1x1x64xf32, #tpu.memory_space<hbm>> -> memref<1x64xf32, #tpu.memory_space<hbm>>
      %dma_start3A_154 = arith.constant 0 : i32
      %dma_start3A_155 = tpu.memref_slice %arg6[%add3A_148, %dma_start3A_154] : memref<640x64xf32, #tpu.memory_space<vmem>> -> memref<1x64xf32, #tpu.memory_space<vmem>>
      %dma_start3A_156 = arith.constant 0 : i32
      %dma_start3A_157 = tpu.memref_slice %arg3[%shift_right_logical3A_142, %and3A_144, %dma_start3A_156] : memref<125000x8x64xf32, #tpu.memory_space<hbm>> -> memref<1x1x64xf32, #tpu.memory_space<hbm>>
      %dma_start3A_158 = tpu.memref_squeeze %dma_start3A_157 : memref<1x1x64xf32, #tpu.memory_space<hbm>> -> memref<1x64xf32, #tpu.memory_space<hbm>>
      tpu.enqueue_dma source(%dma_start3A_158 : memref<1x64xf32, #tpu.memory_space<hbm>>) target(%dma_start3A_155 : memref<1x64xf32, #tpu.memory_space<vmem>>) target_semaphore(%arg9 : memref<!tpu.dma_semaphore, #tpu.memory_space<semaphore_mem>>)
      %slice3A_159 = vector.extract_strided_slice %get3A_43 {offsets = [6], sizes = [1], strides = [1]} : vector<16xi32> to vector<1xi32>
      %squeeze3A_160 = vector.extract %slice3A_159[0] : i32 from vector<1xi32>
      %shift_right_logical3A_161 = arith.constant 3 : i32
      %shift_right_logical3A_162 = arith.shrui %squeeze3A_160, %shift_right_logical3A_161 : i32
      %and3A_163 = arith.constant 7 : i32
      %and3A_164 = arith.andi %squeeze3A_160, %and3A_163 : i32
      %mul3A_165 = arith.constant 16 : i32
      %mul3A_166 = arith.muli %scan3A_38, %mul3A_165 : i32
      %add3A_167 = arith.constant 6 : i32
      %add3A_168 = arith.addi %mul3A_166, %add3A_167 : i32
      %dma_start3A_169 = arith.constant 0 : i32
      %dma_start3A_170 = tpu.memref_slice %arg6[%add3A_168, %dma_start3A_169] : memref<640x64xf32, #tpu.memory_space<vmem>> -> memref<1x64xf32, #tpu.memory_space<vmem>>
      %dma_start3A_171 = arith.constant 0 : i32
      %dma_start3A_172 = tpu.memref_slice %arg3[%shift_right_logical3A_162, %and3A_164, %dma_start3A_171] : memref<125000x8x64xf32, #tpu.memory_space<hbm>> -> memref<1x1x64xf32, #tpu.memory_space<hbm>>
      %dma_start3A_173 = tpu.memref_squeeze %dma_start3A_172 : memref<1x1x64xf32, #tpu.memory_space<hbm>> -> memref<1x64xf32, #tpu.memory_space<hbm>>
      %dma_start3A_174 = arith.constant 0 : i32
      %dma_start3A_175 = tpu.memref_slice %arg6[%add3A_168, %dma_start3A_174] : memref<640x64xf32, #tpu.memory_space<vmem>> -> memref<1x64xf32, #tpu.memory_space<vmem>>
      %dma_start3A_176 = arith.constant 0 : i32
      %dma_start3A_177 = tpu.memref_slice %arg3[%shift_right_logical3A_162, %and3A_164, %dma_start3A_176] : memref<125000x8x64xf32, #tpu.memory_space<hbm>> -> memref<1x1x64xf32, #tpu.memory_space<hbm>>
      %dma_start3A_178 = tpu.memref_squeeze %dma_start3A_177 : memref<1x1x64xf32, #tpu.memory_space<hbm>> -> memref<1x64xf32, #tpu.memory_space<hbm>>
      tpu.enqueue_dma source(%dma_start3A_178 : memref<1x64xf32, #tpu.memory_space<hbm>>) target(%dma_start3A_175 : memref<1x64xf32, #tpu.memory_space<vmem>>) target_semaphore(%arg9 : memref<!tpu.dma_semaphore, #tpu.memory_space<semaphore_mem>>)
      %slice3A_179 = vector.extract_strided_slice %get3A_43 {offsets = [7], sizes = [1], strides = [1]} : vector<16xi32> to vector<1xi32>
      %squeeze3A_180 = vector.extract %slice3A_179[0] : i32 from vector<1xi32>
      %shift_right_logical3A_181 = arith.constant 3 : i32
      %shift_right_logical3A_182 = arith.shrui %squeeze3A_180, %shift_right_logical3A_181 : i32
      %and3A_183 = arith.constant 7 : i32
      %and3A_184 = arith.andi %squeeze3A_180, %and3A_183 : i32
      %mul3A_185 = arith.constant 16 : i32
      %mul3A_186 = arith.muli %scan3A_38, %mul3A_185 : i32
      %add3A_187 = arith.constant 7 : i32
      %add3A_188 = arith.addi %mul3A_186, %add3A_187 : i32
      %dma_start3A_189 = arith.constant 0 : i32
      %dma_start3A_190 = tpu.memref_slice %arg6[%add3A_188, %dma_start3A_189] : memref<640x64xf32, #tpu.memory_space<vmem>> -> memref<1x64xf32, #tpu.memory_space<vmem>>
      %dma_start3A_191 = arith.constant 0 : i32
      %dma_start3A_192 = tpu.memref_slice %arg3[%shift_right_logical3A_182, %and3A_184, %dma_start3A_191] : memref<125000x8x64xf32, #tpu.memory_space<hbm>> -> memref<1x1x64xf32, #tpu.memory_space<hbm>>
      %dma_start3A_193 = tpu.memref_squeeze %dma_start3A_192 : memref<1x1x64xf32, #tpu.memory_space<hbm>> -> memref<1x64xf32, #tpu.memory_space<hbm>>
      %dma_start3A_194 = arith.constant 0 : i32
      %dma_start3A_195 = tpu.memref_slice %arg6[%add3A_188, %dma_start3A_194] : memref<640x64xf32, #tpu.memory_space<vmem>> -> memref<1x64xf32, #tpu.memory_space<vmem>>
      %dma_start3A_196 = arith.constant 0 : i32
      %dma_start3A_197 = tpu.memref_slice %arg3[%shift_right_logical3A_182, %and3A_184, %dma_start3A_196] : memref<125000x8x64xf32, #tpu.memory_space<hbm>> -> memref<1x1x64xf32, #tpu.memory_space<hbm>>
      %dma_start3A_198 = tpu.memref_squeeze %dma_start3A_197 : memref<1x1x64xf32, #tpu.memory_space<hbm>> -> memref<1x64xf32, #tpu.memory_space<hbm>>
      tpu.enqueue_dma source(%dma_start3A_198 : memref<1x64xf32, #tpu.memory_space<hbm>>) target(%dma_start3A_195 : memref<1x64xf32, #tpu.memory_space<vmem>>) target_semaphore(%arg9 : memref<!tpu.dma_semaphore, #tpu.memory_space<semaphore_mem>>)
      %slice3A_199 = vector.extract_strided_slice %get3A_43 {offsets = [8], sizes = [1], strides = [1]} : vector<16xi32> to vector<1xi32>
      %squeeze3A_200 = vector.extract %slice3A_199[0] : i32 from vector<1xi32>
      %shift_right_logical3A_201 = arith.constant 3 : i32
      %shift_right_logical3A_202 = arith.shrui %squeeze3A_200, %shift_right_logical3A_201 : i32
      %and3A_203 = arith.constant 7 : i32
      %and3A_204 = arith.andi %squeeze3A_200, %and3A_203 : i32
      %mul3A_205 = arith.constant 16 : i32
      %mul3A_206 = arith.muli %scan3A_38, %mul3A_205 : i32
      %add3A_207 = arith.constant 8 : i32
      %add3A_208 = arith.addi %mul3A_206, %add3A_207 : i32
      %dma_start3A_209 = arith.constant 0 : i32
      %dma_start3A_210 = tpu.memref_slice %arg6[%add3A_208, %dma_start3A_209] : memref<640x64xf32, #tpu.memory_space<vmem>> -> memref<1x64xf32, #tpu.memory_space<vmem>>
      %dma_start3A_211 = arith.constant 0 : i32
      %dma_start3A_212 = tpu.memref_slice %arg3[%shift_right_logical3A_202, %and3A_204, %dma_start3A_211] : memref<125000x8x64xf32, #tpu.memory_space<hbm>> -> memref<1x1x64xf32, #tpu.memory_space<hbm>>
      %dma_start3A_213 = tpu.memref_squeeze %dma_start3A_212 : memref<1x1x64xf32, #tpu.memory_space<hbm>> -> memref<1x64xf32, #tpu.memory_space<hbm>>
      %dma_start3A_214 = arith.constant 0 : i32
      %dma_start3A_215 = tpu.memref_slice %arg6[%add3A_208, %dma_start3A_214] : memref<640x64xf32, #tpu.memory_space<vmem>> -> memref<1x64xf32, #tpu.memory_space<vmem>>
      %dma_start3A_216 = arith.constant 0 : i32
      %dma_start3A_217 = tpu.memref_slice %arg3[%shift_right_logical3A_202, %and3A_204, %dma_start3A_216] : memref<125000x8x64xf32, #tpu.memory_space<hbm>> -> memref<1x1x64xf32, #tpu.memory_space<hbm>>
      %dma_start3A_218 = tpu.memref_squeeze %dma_start3A_217 : memref<1x1x64xf32, #tpu.memory_space<hbm>> -> memref<1x64xf32, #tpu.memory_space<hbm>>
      tpu.enqueue_dma source(%dma_start3A_218 : memref<1x64xf32, #tpu.memory_space<hbm>>) target(%dma_start3A_215 : memref<1x64xf32, #tpu.memory_space<vmem>>) target_semaphore(%arg9 : memref<!tpu.dma_semaphore, #tpu.memory_space<semaphore_mem>>)
      %slice3A_219 = vector.extract_strided_slice %get3A_43 {offsets = [9], sizes = [1], strides = [1]} : vector<16xi32> to vector<1xi32>
      %squeeze3A_220 = vector.extract %slice3A_219[0] : i32 from vector<1xi32>
      %shift_right_logical3A_221 = arith.constant 3 : i32
      %shift_right_logical3A_222 = arith.shrui %squeeze3A_220, %shift_right_logical3A_221 : i32
      %and3A_223 = arith.constant 7 : i32
      %and3A_224 = arith.andi %squeeze3A_220, %and3A_223 : i32
      %mul3A_225 = arith.constant 16 : i32
      %mul3A_226 = arith.muli %scan3A_38, %mul3A_225 : i32
      %add3A_227 = arith.constant 9 : i32
      %add3A_228 = arith.addi %mul3A_226, %add3A_227 : i32
      %dma_start3A_229 = arith.constant 0 : i32
      %dma_start3A_230 = tpu.memref_slice %arg6[%add3A_228, %dma_start3A_229] : memref<640x64xf32, #tpu.memory_space<vmem>> -> memref<1x64xf32, #tpu.memory_space<vmem>>
      %dma_start3A_231 = arith.constant 0 : i32
      %dma_start3A_232 = tpu.memref_slice %arg3[%shift_right_logical3A_222, %and3A_224, %dma_start3A_231] : memref<125000x8x64xf32, #tpu.memory_space<hbm>> -> memref<1x1x64xf32, #tpu.memory_space<hbm>>
      %dma_start3A_233 = tpu.memref_squeeze %dma_start3A_232 : memref<1x1x64xf32, #tpu.memory_space<hbm>> -> memref<1x64xf32, #tpu.memory_space<hbm>>
      %dma_start3A_234 = arith.constant 0 : i32
      %dma_start3A_235 = tpu.memref_slice %arg6[%add3A_228, %dma_start3A_234] : memref<640x64xf32, #tpu.memory_space<vmem>> -> memref<1x64xf32, #tpu.memory_space<vmem>>
      %dma_start3A_236 = arith.constant 0 : i32
      %dma_start3A_237 = tpu.memref_slice %arg3[%shift_right_logical3A_222, %and3A_224, %dma_start3A_236] : memref<125000x8x64xf32, #tpu.memory_space<hbm>> -> memref<1x1x64xf32, #tpu.memory_space<hbm>>
      %dma_start3A_238 = tpu.memref_squeeze %dma_start3A_237 : memref<1x1x64xf32, #tpu.memory_space<hbm>> -> memref<1x64xf32, #tpu.memory_space<hbm>>
      tpu.enqueue_dma source(%dma_start3A_238 : memref<1x64xf32, #tpu.memory_space<hbm>>) target(%dma_start3A_235 : memref<1x64xf32, #tpu.memory_space<vmem>>) target_semaphore(%arg9 : memref<!tpu.dma_semaphore, #tpu.memory_space<semaphore_mem>>)
      %slice3A_239 = vector.extract_strided_slice %get3A_43 {offsets = [10], sizes = [1], strides = [1]} : vector<16xi32> to vector<1xi32>
      %squeeze3A_240 = vector.extract %slice3A_239[0] : i32 from vector<1xi32>
      %shift_right_logical3A_241 = arith.constant 3 : i32
      %shift_right_logical3A_242 = arith.shrui %squeeze3A_240, %shift_right_logical3A_241 : i32
      %and3A_243 = arith.constant 7 : i32
      %and3A_244 = arith.andi %squeeze3A_240, %and3A_243 : i32
      %mul3A_245 = arith.constant 16 : i32
      %mul3A_246 = arith.muli %scan3A_38, %mul3A_245 : i32
      %add3A_247 = arith.constant 10 : i32
      %add3A_248 = arith.addi %mul3A_246, %add3A_247 : i32
      %dma_start3A_249 = arith.constant 0 : i32
      %dma_start3A_250 = tpu.memref_slice %arg6[%add3A_248, %dma_start3A_249] : memref<640x64xf32, #tpu.memory_space<vmem>> -> memref<1x64xf32, #tpu.memory_space<vmem>>
      %dma_start3A_251 = arith.constant 0 : i32
      %dma_start3A_252 = tpu.memref_slice %arg3[%shift_right_logical3A_242, %and3A_244, %dma_start3A_251] : memref<125000x8x64xf32, #tpu.memory_space<hbm>> -> memref<1x1x64xf32, #tpu.memory_space<hbm>>
      %dma_start3A_253 = tpu.memref_squeeze %dma_start3A_252 : memref<1x1x64xf32, #tpu.memory_space<hbm>> -> memref<1x64xf32, #tpu.memory_space<hbm>>
      %dma_start3A_254 = arith.constant 0 : i32
      %dma_start3A_255 = tpu.memref_slice %arg6[%add3A_248, %dma_start3A_254] : memref<640x64xf32, #tpu.memory_space<vmem>> -> memref<1x64xf32, #tpu.memory_space<vmem>>
      %dma_start3A_256 = arith.constant 0 : i32
      %dma_start3A_257 = tpu.memref_slice %arg3[%shift_right_logical3A_242, %and3A_244, %dma_start3A_256] : memref<125000x8x64xf32, #tpu.memory_space<hbm>> -> memref<1x1x64xf32, #tpu.memory_space<hbm>>
      %dma_start3A_258 = tpu.memref_squeeze %dma_start3A_257 : memref<1x1x64xf32, #tpu.memory_space<hbm>> -> memref<1x64xf32, #tpu.memory_space<hbm>>
      tpu.enqueue_dma source(%dma_start3A_258 : memref<1x64xf32, #tpu.memory_space<hbm>>) target(%dma_start3A_255 : memref<1x64xf32, #tpu.memory_space<vmem>>) target_semaphore(%arg9 : memref<!tpu.dma_semaphore, #tpu.memory_space<semaphore_mem>>)
      %slice3A_259 = vector.extract_strided_slice %get3A_43 {offsets = [11], sizes = [1], strides = [1]} : vector<16xi32> to vector<1xi32>
      %squeeze3A_260 = vector.extract %slice3A_259[0] : i32 from vector<1xi32>
      %shift_right_logical3A_261 = arith.constant 3 : i32
      %shift_right_logical3A_262 = arith.shrui %squeeze3A_260, %shift_right_logical3A_261 : i32
      %and3A_263 = arith.constant 7 : i32
      %and3A_264 = arith.andi %squeeze3A_260, %and3A_263 : i32
      %mul3A_265 = arith.constant 16 : i32
      %mul3A_266 = arith.muli %scan3A_38, %mul3A_265 : i32
      %add3A_267 = arith.constant 11 : i32
      %add3A_268 = arith.addi %mul3A_266, %add3A_267 : i32
      %dma_start3A_269 = arith.constant 0 : i32
      %dma_start3A_270 = tpu.memref_slice %arg6[%add3A_268, %dma_start3A_269] : memref<640x64xf32, #tpu.memory_space<vmem>> -> memref<1x64xf32, #tpu.memory_space<vmem>>
      %dma_start3A_271 = arith.constant 0 : i32
      %dma_start3A_272 = tpu.memref_slice %arg3[%shift_right_logical3A_262, %and3A_264, %dma_start3A_271] : memref<125000x8x64xf32, #tpu.memory_space<hbm>> -> memref<1x1x64xf32, #tpu.memory_space<hbm>>
      %dma_start3A_273 = tpu.memref_squeeze %dma_start3A_272 : memref<1x1x64xf32, #tpu.memory_space<hbm>> -> memref<1x64xf32, #tpu.memory_space<hbm>>
      %dma_start3A_274 = arith.constant 0 : i32
      %dma_start3A_275 = tpu.memref_slice %arg6[%add3A_268, %dma_start3A_274] : memref<640x64xf32, #tpu.memory_space<vmem>> -> memref<1x64xf32, #tpu.memory_space<vmem>>
      %dma_start3A_276 = arith.constant 0 : i32
      %dma_start3A_277 = tpu.memref_slice %arg3[%shift_right_logical3A_262, %and3A_264, %dma_start3A_276] : memref<125000x8x64xf32, #tpu.memory_space<hbm>> -> memref<1x1x64xf32, #tpu.memory_space<hbm>>
      %dma_start3A_278 = tpu.memref_squeeze %dma_start3A_277 : memref<1x1x64xf32, #tpu.memory_space<hbm>> -> memref<1x64xf32, #tpu.memory_space<hbm>>
      tpu.enqueue_dma source(%dma_start3A_278 : memref<1x64xf32, #tpu.memory_space<hbm>>) target(%dma_start3A_275 : memref<1x64xf32, #tpu.memory_space<vmem>>) target_semaphore(%arg9 : memref<!tpu.dma_semaphore, #tpu.memory_space<semaphore_mem>>)
      %slice3A_279 = vector.extract_strided_slice %get3A_43 {offsets = [12], sizes = [1], strides = [1]} : vector<16xi32> to vector<1xi32>
      %squeeze3A_280 = vector.extract %slice3A_279[0] : i32 from vector<1xi32>
      %shift_right_logical3A_281 = arith.constant 3 : i32
      %shift_right_logical3A_282 = arith.shrui %squeeze3A_280, %shift_right_logical3A_281 : i32
      %and3A_283 = arith.constant 7 : i32
      %and3A_284 = arith.andi %squeeze3A_280, %and3A_283 : i32
      %mul3A_285 = arith.constant 16 : i32
      %mul3A_286 = arith.muli %scan3A_38, %mul3A_285 : i32
      %add3A_287 = arith.constant 12 : i32
      %add3A_288 = arith.addi %mul3A_286, %add3A_287 : i32
      %dma_start3A_289 = arith.constant 0 : i32
      %dma_start3A_290 = tpu.memref_slice %arg6[%add3A_288, %dma_start3A_289] : memref<640x64xf32, #tpu.memory_space<vmem>> -> memref<1x64xf32, #tpu.memory_space<vmem>>
      %dma_start3A_291 = arith.constant 0 : i32
      %dma_start3A_292 = tpu.memref_slice %arg3[%shift_right_logical3A_282, %and3A_284, %dma_start3A_291] : memref<125000x8x64xf32, #tpu.memory_space<hbm>> -> memref<1x1x64xf32, #tpu.memory_space<hbm>>
      %dma_start3A_293 = tpu.memref_squeeze %dma_start3A_292 : memref<1x1x64xf32, #tpu.memory_space<hbm>> -> memref<1x64xf32, #tpu.memory_space<hbm>>
      %dma_start3A_294 = arith.constant 0 : i32
      %dma_start3A_295 = tpu.memref_slice %arg6[%add3A_288, %dma_start3A_294] : memref<640x64xf32, #tpu.memory_space<vmem>> -> memref<1x64xf32, #tpu.memory_space<vmem>>
      %dma_start3A_296 = arith.constant 0 : i32
      %dma_start3A_297 = tpu.memref_slice %arg3[%shift_right_logical3A_282, %and3A_284, %dma_start3A_296] : memref<125000x8x64xf32, #tpu.memory_space<hbm>> -> memref<1x1x64xf32, #tpu.memory_space<hbm>>
      %dma_start3A_298 = tpu.memref_squeeze %dma_start3A_297 : memref<1x1x64xf32, #tpu.memory_space<hbm>> -> memref<1x64xf32, #tpu.memory_space<hbm>>
      tpu.enqueue_dma source(%dma_start3A_298 : memref<1x64xf32, #tpu.memory_space<hbm>>) target(%dma_start3A_295 : memref<1x64xf32, #tpu.memory_space<vmem>>) target_semaphore(%arg9 : memref<!tpu.dma_semaphore, #tpu.memory_space<semaphore_mem>>)
      %slice3A_299 = vector.extract_strided_slice %get3A_43 {offsets = [13], sizes = [1], strides = [1]} : vector<16xi32> to vector<1xi32>
      %squeeze3A_300 = vector.extract %slice3A_299[0] : i32 from vector<1xi32>
      %shift_right_logical3A_301 = arith.constant 3 : i32
      %shift_right_logical3A_302 = arith.shrui %squeeze3A_300, %shift_right_logical3A_301 : i32
      %and3A_303 = arith.constant 7 : i32
      %and3A_304 = arith.andi %squeeze3A_300, %and3A_303 : i32
      %mul3A_305 = arith.constant 16 : i32
      %mul3A_306 = arith.muli %scan3A_38, %mul3A_305 : i32
      %add3A_307 = arith.constant 13 : i32
      %add3A_308 = arith.addi %mul3A_306, %add3A_307 : i32
      %dma_start3A_309 = arith.constant 0 : i32
      %dma_start3A_310 = tpu.memref_slice %arg6[%add3A_308, %dma_start3A_309] : memref<640x64xf32, #tpu.memory_space<vmem>> -> memref<1x64xf32, #tpu.memory_space<vmem>>
      %dma_start3A_311 = arith.constant 0 : i32
      %dma_start3A_312 = tpu.memref_slice %arg3[%shift_right_logical3A_302, %and3A_304, %dma_start3A_311] : memref<125000x8x64xf32, #tpu.memory_space<hbm>> -> memref<1x1x64xf32, #tpu.memory_space<hbm>>
      %dma_start3A_313 = tpu.memref_squeeze %dma_start3A_312 : memref<1x1x64xf32, #tpu.memory_space<hbm>> -> memref<1x64xf32, #tpu.memory_space<hbm>>
      %dma_start3A_314 = arith.constant 0 : i32
      %dma_start3A_315 = tpu.memref_slice %arg6[%add3A_308, %dma_start3A_314] : memref<640x64xf32, #tpu.memory_space<vmem>> -> memref<1x64xf32, #tpu.memory_space<vmem>>
      %dma_start3A_316 = arith.constant 0 : i32
      %dma_start3A_317 = tpu.memref_slice %arg3[%shift_right_logical3A_302, %and3A_304, %dma_start3A_316] : memref<125000x8x64xf32, #tpu.memory_space<hbm>> -> memref<1x1x64xf32, #tpu.memory_space<hbm>>
      %dma_start3A_318 = tpu.memref_squeeze %dma_start3A_317 : memref<1x1x64xf32, #tpu.memory_space<hbm>> -> memref<1x64xf32, #tpu.memory_space<hbm>>
      tpu.enqueue_dma source(%dma_start3A_318 : memref<1x64xf32, #tpu.memory_space<hbm>>) target(%dma_start3A_315 : memref<1x64xf32, #tpu.memory_space<vmem>>) target_semaphore(%arg9 : memref<!tpu.dma_semaphore, #tpu.memory_space<semaphore_mem>>)
      %slice3A_319 = vector.extract_strided_slice %get3A_43 {offsets = [14], sizes = [1], strides = [1]} : vector<16xi32> to vector<1xi32>
      %squeeze3A_320 = vector.extract %slice3A_319[0] : i32 from vector<1xi32>
      %shift_right_logical3A_321 = arith.constant 3 : i32
      %shift_right_logical3A_322 = arith.shrui %squeeze3A_320, %shift_right_logical3A_321 : i32
      %and3A_323 = arith.constant 7 : i32
      %and3A_324 = arith.andi %squeeze3A_320, %and3A_323 : i32
      %mul3A_325 = arith.constant 16 : i32
      %mul3A_326 = arith.muli %scan3A_38, %mul3A_325 : i32
      %add3A_327 = arith.constant 14 : i32
      %add3A_328 = arith.addi %mul3A_326, %add3A_327 : i32
      %dma_start3A_329 = arith.constant 0 : i32
      %dma_start3A_330 = tpu.memref_slice %arg6[%add3A_328, %dma_start3A_329] : memref<640x64xf32, #tpu.memory_space<vmem>> -> memref<1x64xf32, #tpu.memory_space<vmem>>
      %dma_start3A_331 = arith.constant 0 : i32
      %dma_start3A_332 = tpu.memref_slice %arg3[%shift_right_logical3A_322, %and3A_324, %dma_start3A_331] : memref<125000x8x64xf32, #tpu.memory_space<hbm>> -> memref<1x1x64xf32, #tpu.memory_space<hbm>>
      %dma_start3A_333 = tpu.memref_squeeze %dma_start3A_332 : memref<1x1x64xf32, #tpu.memory_space<hbm>> -> memref<1x64xf32, #tpu.memory_space<hbm>>
      %dma_start3A_334 = arith.constant 0 : i32
      %dma_start3A_335 = tpu.memref_slice %arg6[%add3A_328, %dma_start3A_334] : memref<640x64xf32, #tpu.memory_space<vmem>> -> memref<1x64xf32, #tpu.memory_space<vmem>>
      %dma_start3A_336 = arith.constant 0 : i32
      %dma_start3A_337 = tpu.memref_slice %arg3[%shift_right_logical3A_322, %and3A_324, %dma_start3A_336] : memref<125000x8x64xf32, #tpu.memory_space<hbm>> -> memref<1x1x64xf32, #tpu.memory_space<hbm>>
      %dma_start3A_338 = tpu.memref_squeeze %dma_start3A_337 : memref<1x1x64xf32, #tpu.memory_space<hbm>> -> memref<1x64xf32, #tpu.memory_space<hbm>>
      tpu.enqueue_dma source(%dma_start3A_338 : memref<1x64xf32, #tpu.memory_space<hbm>>) target(%dma_start3A_335 : memref<1x64xf32, #tpu.memory_space<vmem>>) target_semaphore(%arg9 : memref<!tpu.dma_semaphore, #tpu.memory_space<semaphore_mem>>)
      %slice3A_339 = vector.extract_strided_slice %get3A_43 {offsets = [15], sizes = [1], strides = [1]} : vector<16xi32> to vector<1xi32>
      %squeeze3A_340 = vector.extract %slice3A_339[0] : i32 from vector<1xi32>
      %shift_right_logical3A_341 = arith.constant 3 : i32
      %shift_right_logical3A_342 = arith.shrui %squeeze3A_340, %shift_right_logical3A_341 : i32
      %and3A_343 = arith.constant 7 : i32
      %and3A_344 = arith.andi %squeeze3A_340, %and3A_343 : i32
      %mul3A_345 = arith.constant 16 : i32
      %mul3A_346 = arith.muli %scan3A_38, %mul3A_345 : i32
      %add3A_347 = arith.constant 15 : i32
      %add3A_348 = arith.addi %mul3A_346, %add3A_347 : i32
      %dma_start3A_349 = arith.constant 0 : i32
      %dma_start3A_350 = tpu.memref_slice %arg6[%add3A_348, %dma_start3A_349] : memref<640x64xf32, #tpu.memory_space<vmem>> -> memref<1x64xf32, #tpu.memory_space<vmem>>
      %dma_start3A_351 = arith.constant 0 : i32
      %dma_start3A_352 = tpu.memref_slice %arg3[%shift_right_logical3A_342, %and3A_344, %dma_start3A_351] : memref<125000x8x64xf32, #tpu.memory_space<hbm>> -> memref<1x1x64xf32, #tpu.memory_space<hbm>>
      %dma_start3A_353 = tpu.memref_squeeze %dma_start3A_352 : memref<1x1x64xf32, #tpu.memory_space<hbm>> -> memref<1x64xf32, #tpu.memory_space<hbm>>
      %dma_start3A_354 = arith.constant 0 : i32
      %dma_start3A_355 = tpu.memref_slice %arg6[%add3A_348, %dma_start3A_354] : memref<640x64xf32, #tpu.memory_space<vmem>> -> memref<1x64xf32, #tpu.memory_space<vmem>>
      %dma_start3A_356 = arith.constant 0 : i32
      %dma_start3A_357 = tpu.memref_slice %arg3[%shift_right_logical3A_342, %and3A_344, %dma_start3A_356] : memref<125000x8x64xf32, #tpu.memory_space<hbm>> -> memref<1x1x64xf32, #tpu.memory_space<hbm>>
      %dma_start3A_358 = tpu.memref_squeeze %dma_start3A_357 : memref<1x1x64xf32, #tpu.memory_space<hbm>> -> memref<1x64xf32, #tpu.memory_space<hbm>>
      tpu.enqueue_dma source(%dma_start3A_358 : memref<1x64xf32, #tpu.memory_space<hbm>>) target(%dma_start3A_355 : memref<1x64xf32, #tpu.memory_space<vmem>>) target_semaphore(%arg9 : memref<!tpu.dma_semaphore, #tpu.memory_space<semaphore_mem>>)
    }
    %scan3A_5 = arith.constant 40 : i32
    %scan3A_6 = arith.constant 0 : i32
    %scan3A_7 = arith.constant 0 : i32
    %scan3A_8 = arith.constant 640 : i32
    %scan3A_9 = arith.addi %scan3A_7, %scan3A_8 : i32
    %scan3A_10 = arith.constant 1 : i32
    scf.for %scan3A_38 = %scan3A_7 to %scan3A_9 step %scan3A_10  : i32 {
      %dma_wait3A = arith.constant 0 : i32
      %dma_wait3A_39 = arith.constant 0 : i32
      %dma_wait3A_40 = tpu.memref_slice %arg6[%scan3A_38, %dma_wait3A_39] : memref<640x64xf32, #tpu.memory_space<vmem>> -> memref<1x64xf32, #tpu.memory_space<vmem>>
      %dma_wait3A_41 = arith.constant 0 : i32
      %dma_wait3A_42 = arith.constant 0 : i32
      %dma_wait3A_43 = tpu.memref_slice %arg3[%dma_wait3A, %dma_wait3A_41, %dma_wait3A_42] : memref<125000x8x64xf32, #tpu.memory_space<hbm>> -> memref<1x1x64xf32, #tpu.memory_space<hbm>>
      %dma_wait3A_44 = tpu.memref_squeeze %dma_wait3A_43 : memref<1x1x64xf32, #tpu.memory_space<hbm>> -> memref<1x64xf32, #tpu.memory_space<hbm>>
      %dma_wait3A_45 = arith.constant 0 : i32
      %dma_wait3A_46 = tpu.memref_slice %arg6[%scan3A_38, %dma_wait3A_45] : memref<640x64xf32, #tpu.memory_space<vmem>> -> memref<1x64xf32, #tpu.memory_space<vmem>>
      %dma_wait3A_47 = arith.constant 0 : i32
      %dma_wait3A_48 = arith.constant 0 : i32
      %dma_wait3A_49 = tpu.memref_slice %arg3[%dma_wait3A, %dma_wait3A_47, %dma_wait3A_48] : memref<125000x8x64xf32, #tpu.memory_space<hbm>> -> memref<1x1x64xf32, #tpu.memory_space<hbm>>
      %dma_wait3A_50 = tpu.memref_squeeze %dma_wait3A_49 : memref<1x1x64xf32, #tpu.memory_space<hbm>> -> memref<1x64xf32, #tpu.memory_space<hbm>>
      tpu.wait_dma2 semaphore(%arg9 : memref<!tpu.dma_semaphore, #tpu.memory_space<semaphore_mem>>) src(%dma_wait3A_50 : memref<1x64xf32, #tpu.memory_space<hbm>>) dst(%dma_wait3A_46 : memref<1x64xf32, #tpu.memory_space<vmem>>)
    }
    %scan3A_11 = arith.constant 640 : i32
    %get3A = arith.constant 0 : index
    %get3A_12 = arith.constant 0 : index
    %get3A_13 = tpu.vector_load %arg7[%get3A, %get3A_12] {strides = array<i32>} : memref<1x64xf32, #tpu.memory_space<vmem>>, vector<1x16xf32>,
    %get3A_14 = vector.shape_cast %get3A_13 : vector<1x16xf32> to vector<1x16xf32>
    %reshape3A = vector.shape_cast %get3A_14 : vector<1x16xf32> to vector<16xf32>
    %get3A_15 = arith.constant 0 : index
    %get3A_16 = arith.constant 16 : index
    %get3A_17 = tpu.vector_load %arg7[%get3A_15, %get3A_16] {strides = array<i32>} : memref<1x64xf32, #tpu.memory_space<vmem>>, vector<1x16xf32>,
    %get3A_18 = vector.shape_cast %get3A_17 : vector<1x16xf32> to vector<1x16xf32>
    %reshape3A_19 = vector.shape_cast %get3A_18 : vector<1x16xf32> to vector<16xf32>
    %get3A_20 = arith.constant 0 : index
    %get3A_21 = arith.constant 32 : index
    %get3A_22 = tpu.vector_load %arg7[%get3A_20, %get3A_21] {strides = array<i32>} : memref<1x64xf32, #tpu.memory_space<vmem>>, vector<1x16xf32>,
    %get3A_23 = vector.shape_cast %get3A_22 : vector<1x16xf32> to vector<1x16xf32>
    %reshape3A_24 = vector.shape_cast %get3A_23 : vector<1x16xf32> to vector<16xf32>
    %get3A_25 = arith.constant 0 : index
    %get3A_26 = arith.constant 48 : index
    %get3A_27 = tpu.vector_load %arg7[%get3A_25, %get3A_26] {strides = array<i32>} : memref<1x64xf32, #tpu.memory_space<vmem>>, vector<1x16xf32>,
    %get3A_28 = vector.shape_cast %get3A_27 : vector<1x16xf32> to vector<1x16xf32>
    %reshape3A_29 = vector.shape_cast %get3A_28 : vector<1x16xf32> to vector<16xf32>
    %scan3A_30 = arith.constant 0 : i32
    %scan3A_31 = arith.constant 0 : i32
    %scan3A_32 = arith.constant 32 : i32
    %scan3A_33 = arith.addi %scan3A_31, %scan3A_32 : i32
    %scan3A_34 = arith.constant 1 : i32
    scf.for %scan3A_38 = %scan3A_31 to %scan3A_33 step %scan3A_34  : i32 {
      %mul3A_39 = arith.constant 20 : i32
      %mul3A_40 = arith.muli %scan3A_38, %mul3A_39 : i32
      %add3A_41 = arith.constant 0 : i32
      %add3A_42 = arith.addi %mul3A_40, %add3A_41 : i32
      %get3A_43 = arith.index_cast %add3A_42 : i32 to index
      %get3A_44 = arith.constant 0 : index
      %get3A_45 = tpu.vector_load %arg6[%get3A_43, %get3A_44] {strides = array<i32>} : memref<640x64xf32, #tpu.memory_space<vmem>>, vector<1x16xf32>,
      %get3A_46 = vector.shape_cast %get3A_45 : vector<1x16xf32> to vector<1x16xf32>
      %reshape3A_47 = vector.shape_cast %get3A_46 : vector<1x16xf32> to vector<16xf32>
      %add3A_48 = arith.constant 1 : i32
      %add3A_49 = arith.addi %mul3A_40, %add3A_48 : i32
      %get3A_50 = arith.index_cast %add3A_49 : i32 to index
      %get3A_51 = arith.constant 0 : index
      %get3A_52 = tpu.vector_load %arg6[%get3A_50, %get3A_51] {strides = array<i32>} : memref<640x64xf32, #tpu.memory_space<vmem>>, vector<1x16xf32>,
      %get3A_53 = vector.shape_cast %get3A_52 : vector<1x16xf32> to vector<1x16xf32>
      %reshape3A_54 = vector.shape_cast %get3A_53 : vector<1x16xf32> to vector<16xf32>
      %add3A_55 = arith.constant 2 : i32
      %add3A_56 = arith.addi %mul3A_40, %add3A_55 : i32
      %get3A_57 = arith.index_cast %add3A_56 : i32 to index
      %get3A_58 = arith.constant 0 : index
      %get3A_59 = tpu.vector_load %arg6[%get3A_57, %get3A_58] {strides = array<i32>} : memref<640x64xf32, #tpu.memory_space<vmem>>, vector<1x16xf32>,
      %get3A_60 = vector.shape_cast %get3A_59 : vector<1x16xf32> to vector<1x16xf32>
      %reshape3A_61 = vector.shape_cast %get3A_60 : vector<1x16xf32> to vector<16xf32>
      %add3A_62 = arith.constant 3 : i32
      %add3A_63 = arith.addi %mul3A_40, %add3A_62 : i32
      %get3A_64 = arith.index_cast %add3A_63 : i32 to index
      %get3A_65 = arith.constant 0 : index
      %get3A_66 = tpu.vector_load %arg6[%get3A_64, %get3A_65] {strides = array<i32>} : memref<640x64xf32, #tpu.memory_space<vmem>>, vector<1x16xf32>,
      %get3A_67 = vector.shape_cast %get3A_66 : vector<1x16xf32> to vector<1x16xf32>
      %reshape3A_68 = vector.shape_cast %get3A_67 : vector<1x16xf32> to vector<16xf32>
      %add3A_69 = arith.constant 4 : i32
      %add3A_70 = arith.addi %mul3A_40, %add3A_69 : i32
      %get3A_71 = arith.index_cast %add3A_70 : i32 to index
      %get3A_72 = arith.constant 0 : index
      %get3A_73 = tpu.vector_load %arg6[%get3A_71, %get3A_72] {strides = array<i32>} : memref<640x64xf32, #tpu.memory_space<vmem>>, vector<1x16xf32>,
      %get3A_74 = vector.shape_cast %get3A_73 : vector<1x16xf32> to vector<1x16xf32>
      %reshape3A_75 = vector.shape_cast %get3A_74 : vector<1x16xf32> to vector<16xf32>
      %add3A_76 = arith.constant 5 : i32
      %add3A_77 = arith.addi %mul3A_40, %add3A_76 : i32
      %get3A_78 = arith.index_cast %add3A_77 : i32 to index
      %get3A_79 = arith.constant 0 : index
      %get3A_80 = tpu.vector_load %arg6[%get3A_78, %get3A_79] {strides = array<i32>} : memref<640x64xf32, #tpu.memory_space<vmem>>, vector<1x16xf32>,
      %get3A_81 = vector.shape_cast %get3A_80 : vector<1x16xf32> to vector<1x16xf32>
      %reshape3A_82 = vector.shape_cast %get3A_81 : vector<1x16xf32> to vector<16xf32>
      %add3A_83 = arith.constant 6 : i32
      %add3A_84 = arith.addi %mul3A_40, %add3A_83 : i32
      %get3A_85 = arith.index_cast %add3A_84 : i32 to index
      %get3A_86 = arith.constant 0 : index
      %get3A_87 = tpu.vector_load %arg6[%get3A_85, %get3A_86] {strides = array<i32>} : memref<640x64xf32, #tpu.memory_space<vmem>>, vector<1x16xf32>,
      %get3A_88 = vector.shape_cast %get3A_87 : vector<1x16xf32> to vector<1x16xf32>
      %reshape3A_89 = vector.shape_cast %get3A_88 : vector<1x16xf32> to vector<16xf32>
      %add3A_90 = arith.constant 7 : i32
      %add3A_91 = arith.addi %mul3A_40, %add3A_90 : i32
      %get3A_92 = arith.index_cast %add3A_91 : i32 to index
      %get3A_93 = arith.constant 0 : index
      %get3A_94 = tpu.vector_load %arg6[%get3A_92, %get3A_93] {strides = array<i32>} : memref<640x64xf32, #tpu.memory_space<vmem>>, vector<1x16xf32>,
      %get3A_95 = vector.shape_cast %get3A_94 : vector<1x16xf32> to vector<1x16xf32>
      %reshape3A_96 = vector.shape_cast %get3A_95 : vector<1x16xf32> to vector<16xf32>
      %add3A_97 = arith.constant 8 : i32
      %add3A_98 = arith.addi %mul3A_40, %add3A_97 : i32
      %get3A_99 = arith.index_cast %add3A_98 : i32 to index
      %get3A_100 = arith.constant 0 : index
      %get3A_101 = tpu.vector_load %arg6[%get3A_99, %get3A_100] {strides = array<i32>} : memref<640x64xf32, #tpu.memory_space<vmem>>, vector<1x16xf32>,
      %get3A_102 = vector.shape_cast %get3A_101 : vector<1x16xf32> to vector<1x16xf32>
      %reshape3A_103 = vector.shape_cast %get3A_102 : vector<1x16xf32> to vector<16xf32>
      %add3A_104 = arith.constant 9 : i32
      %add3A_105 = arith.addi %mul3A_40, %add3A_104 : i32
      %get3A_106 = arith.index_cast %add3A_105 : i32 to index
      %get3A_107 = arith.constant 0 : index
      %get3A_108 = tpu.vector_load %arg6[%get3A_106, %get3A_107] {strides = array<i32>} : memref<640x64xf32, #tpu.memory_space<vmem>>, vector<1x16xf32>,
      %get3A_109 = vector.shape_cast %get3A_108 : vector<1x16xf32> to vector<1x16xf32>
      %reshape3A_110 = vector.shape_cast %get3A_109 : vector<1x16xf32> to vector<16xf32>
      %add3A_111 = arith.constant 10 : i32
      %add3A_112 = arith.addi %mul3A_40, %add3A_111 : i32
      %get3A_113 = arith.index_cast %add3A_112 : i32 to index
      %get3A_114 = arith.constant 0 : index
      %get3A_115 = tpu.vector_load %arg6[%get3A_113, %get3A_114] {strides = array<i32>} : memref<640x64xf32, #tpu.memory_space<vmem>>, vector<1x16xf32>,
      %get3A_116 = vector.shape_cast %get3A_115 : vector<1x16xf32> to vector<1x16xf32>
      %reshape3A_117 = vector.shape_cast %get3A_116 : vector<1x16xf32> to vector<16xf32>
      %add3A_118 = arith.constant 11 : i32
      %add3A_119 = arith.addi %mul3A_40, %add3A_118 : i32
      %get3A_120 = arith.index_cast %add3A_119 : i32 to index
      %get3A_121 = arith.constant 0 : index
      %get3A_122 = tpu.vector_load %arg6[%get3A_120, %get3A_121] {strides = array<i32>} : memref<640x64xf32, #tpu.memory_space<vmem>>, vector<1x16xf32>,
      %get3A_123 = vector.shape_cast %get3A_122 : vector<1x16xf32> to vector<1x16xf32>
      %reshape3A_124 = vector.shape_cast %get3A_123 : vector<1x16xf32> to vector<16xf32>
      %add3A_125 = arith.constant 12 : i32
      %add3A_126 = arith.addi %mul3A_40, %add3A_125 : i32
      %get3A_127 = arith.index_cast %add3A_126 : i32 to index
      %get3A_128 = arith.constant 0 : index
      %get3A_129 = tpu.vector_load %arg6[%get3A_127, %get3A_128] {strides = array<i32>} : memref<640x64xf32, #tpu.memory_space<vmem>>, vector<1x16xf32>,
      %get3A_130 = vector.shape_cast %get3A_129 : vector<1x16xf32> to vector<1x16xf32>
      %reshape3A_131 = vector.shape_cast %get3A_130 : vector<1x16xf32> to vector<16xf32>
      %add3A_132 = arith.constant 13 : i32
      %add3A_133 = arith.addi %mul3A_40, %add3A_132 : i32
      %get3A_134 = arith.index_cast %add3A_133 : i32 to index
      %get3A_135 = arith.constant 0 : index
      %get3A_136 = tpu.vector_load %arg6[%get3A_134, %get3A_135] {strides = array<i32>} : memref<640x64xf32, #tpu.memory_space<vmem>>, vector<1x16xf32>,
      %get3A_137 = vector.shape_cast %get3A_136 : vector<1x16xf32> to vector<1x16xf32>
      %reshape3A_138 = vector.shape_cast %get3A_137 : vector<1x16xf32> to vector<16xf32>
      %add3A_139 = arith.constant 14 : i32
      %add3A_140 = arith.addi %mul3A_40, %add3A_139 : i32
      %get3A_141 = arith.index_cast %add3A_140 : i32 to index
      %get3A_142 = arith.constant 0 : index
      %get3A_143 = tpu.vector_load %arg6[%get3A_141, %get3A_142] {strides = array<i32>} : memref<640x64xf32, #tpu.memory_space<vmem>>, vector<1x16xf32>,
      %get3A_144 = vector.shape_cast %get3A_143 : vector<1x16xf32> to vector<1x16xf32>
      %reshape3A_145 = vector.shape_cast %get3A_144 : vector<1x16xf32> to vector<16xf32>
      %add3A_146 = arith.constant 15 : i32
      %add3A_147 = arith.addi %mul3A_40, %add3A_146 : i32
      %get3A_148 = arith.index_cast %add3A_147 : i32 to index
      %get3A_149 = arith.constant 0 : index
      %get3A_150 = tpu.vector_load %arg6[%get3A_148, %get3A_149] {strides = array<i32>} : memref<640x64xf32, #tpu.memory_space<vmem>>, vector<1x16xf32>,
      %get3A_151 = vector.shape_cast %get3A_150 : vector<1x16xf32> to vector<1x16xf32>
      %reshape3A_152 = vector.shape_cast %get3A_151 : vector<1x16xf32> to vector<16xf32>
      %add3A_153 = arith.constant 16 : i32
      %add3A_154 = arith.addi %mul3A_40, %add3A_153 : i32
      %get3A_155 = arith.index_cast %add3A_154 : i32 to index
      %get3A_156 = arith.constant 0 : index
      %get3A_157 = tpu.vector_load %arg6[%get3A_155, %get3A_156] {strides = array<i32>} : memref<640x64xf32, #tpu.memory_space<vmem>>, vector<1x16xf32>,
      %get3A_158 = vector.shape_cast %get3A_157 : vector<1x16xf32> to vector<1x16xf32>
      %reshape3A_159 = vector.shape_cast %get3A_158 : vector<1x16xf32> to vector<16xf32>
      %add3A_160 = arith.constant 17 : i32
      %add3A_161 = arith.addi %mul3A_40, %add3A_160 : i32
      %get3A_162 = arith.index_cast %add3A_161 : i32 to index
      %get3A_163 = arith.constant 0 : index
      %get3A_164 = tpu.vector_load %arg6[%get3A_162, %get3A_163] {strides = array<i32>} : memref<640x64xf32, #tpu.memory_space<vmem>>, vector<1x16xf32>,
      %get3A_165 = vector.shape_cast %get3A_164 : vector<1x16xf32> to vector<1x16xf32>
      %reshape3A_166 = vector.shape_cast %get3A_165 : vector<1x16xf32> to vector<16xf32>
      %add3A_167 = arith.constant 18 : i32
      %add3A_168 = arith.addi %mul3A_40, %add3A_167 : i32
      %get3A_169 = arith.index_cast %add3A_168 : i32 to index
      %get3A_170 = arith.constant 0 : index
      %get3A_171 = tpu.vector_load %arg6[%get3A_169, %get3A_170] {strides = array<i32>} : memref<640x64xf32, #tpu.memory_space<vmem>>, vector<1x16xf32>,
      %get3A_172 = vector.shape_cast %get3A_171 : vector<1x16xf32> to vector<1x16xf32>
      %reshape3A_173 = vector.shape_cast %get3A_172 : vector<1x16xf32> to vector<16xf32>
      %add3A_174 = arith.constant 19 : i32
      %add3A_175 = arith.addi %mul3A_40, %add3A_174 : i32
      %get3A_176 = arith.index_cast %add3A_175 : i32 to index
      %get3A_177 = arith.constant 0 : index
      %get3A_178 = tpu.vector_load %arg6[%get3A_176, %get3A_177] {strides = array<i32>} : memref<640x64xf32, #tpu.memory_space<vmem>>, vector<1x16xf32>,
      %get3A_179 = vector.shape_cast %get3A_178 : vector<1x16xf32> to vector<1x16xf32>
      %reshape3A_180 = vector.shape_cast %get3A_179 : vector<1x16xf32> to vector<16xf32>
      %add3A_181 = arith.addf %reshape3A_47, %reshape3A_54 : vector<16xf32>
      %add3A_182 = arith.addf %add3A_181, %reshape3A_61 : vector<16xf32>
      %add3A_183 = arith.addf %add3A_182, %reshape3A_68 : vector<16xf32>
      %add3A_184 = arith.addf %add3A_183, %reshape3A_75 : vector<16xf32>
      %add3A_185 = arith.addf %add3A_184, %reshape3A_82 : vector<16xf32>
      %add3A_186 = arith.addf %add3A_185, %reshape3A_89 : vector<16xf32>
      %add3A_187 = arith.addf %add3A_186, %reshape3A_96 : vector<16xf32>
      %add3A_188 = arith.addf %add3A_187, %reshape3A_103 : vector<16xf32>
      %add3A_189 = arith.addf %add3A_188, %reshape3A_110 : vector<16xf32>
      %add3A_190 = arith.addf %add3A_189, %reshape3A_117 : vector<16xf32>
      %add3A_191 = arith.addf %add3A_190, %reshape3A_124 : vector<16xf32>
      %add3A_192 = arith.addf %add3A_191, %reshape3A_131 : vector<16xf32>
      %add3A_193 = arith.addf %add3A_192, %reshape3A_138 : vector<16xf32>
      %add3A_194 = arith.addf %add3A_193, %reshape3A_145 : vector<16xf32>
      %add3A_195 = arith.addf %add3A_194, %reshape3A_152 : vector<16xf32>
      %add3A_196 = arith.addf %add3A_195, %reshape3A_159 : vector<16xf32>
      %add3A_197 = arith.addf %add3A_196, %reshape3A_166 : vector<16xf32>
      %add3A_198 = arith.addf %add3A_197, %reshape3A_173 : vector<16xf32>
      %add3A_199 = arith.addf %add3A_198, %reshape3A_180 : vector<16xf32>
      %add3A_200 = arith.addf %add3A_199, %reshape3A : vector<16xf32>
      %sub3A = arith.subf %add3A_200, %reshape3A_180 : vector<16xf32>
      %add3A_201 = arith.addf %sub3A, %reshape3A : vector<16xf32>
      %sub3A_202 = arith.subf %add3A_201, %reshape3A_173 : vector<16xf32>
      %sub3A_203 = arith.subf %add3A_200, %reshape3A_47 : vector<16xf32>
      %add3A_204 = arith.addf %sub3A_203, %reshape3A : vector<16xf32>
      %sub3A_205 = arith.subf %add3A_204, %reshape3A_54 : vector<16xf32>
      %swap3A = arith.constant 0 : i32
      %swap3A_206 = arith.index_cast %scan3A_38 : i32 to index
      %swap3A_207 = arith.index_cast %swap3A : i32 to index
      %swap3A_208 = arith.constant 0 : index
      %swap3A_209 = tpu.vector_load %arg8[%swap3A_206, %swap3A_207, %swap3A_208] {strides = array<i32>} : memref<32x4x64xf32, #tpu.memory_space<vmem>>, vector<1x1x16xf32>,
      %swap3A_210 = vector.shape_cast %swap3A_209 : vector<1x1x16xf32> to vector<16xf32>
      %swap3A_211 = vector.shape_cast %sub3A : vector<16xf32> to vector<1x1x16xf32>
      tpu.vector_store %arg8[%swap3A_206, %swap3A_207, %swap3A_208], %swap3A_211 {strides = array<i32>} : memref<32x4x64xf32, #tpu.memory_space<vmem>>, vector<1x1x16xf32>,
      %swap3A_212 = arith.constant 1 : i32
      %swap3A_213 = arith.index_cast %scan3A_38 : i32 to index
      %swap3A_214 = arith.index_cast %swap3A_212 : i32 to index
      %swap3A_215 = arith.constant 0 : index
      %swap3A_216 = tpu.vector_load %arg8[%swap3A_213, %swap3A_214, %swap3A_215] {strides = array<i32>} : memref<32x4x64xf32, #tpu.memory_space<vmem>>, vector<1x1x16xf32>,
      %swap3A_217 = vector.shape_cast %swap3A_216 : vector<1x1x16xf32> to vector<16xf32>
      %swap3A_218 = vector.shape_cast %sub3A_202 : vector<16xf32> to vector<1x1x16xf32>
      tpu.vector_store %arg8[%swap3A_213, %swap3A_214, %swap3A_215], %swap3A_218 {strides = array<i32>} : memref<32x4x64xf32, #tpu.memory_space<vmem>>, vector<1x1x16xf32>,
      %swap3A_219 = arith.constant 2 : i32
      %swap3A_220 = arith.index_cast %scan3A_38 : i32 to index
      %swap3A_221 = arith.index_cast %swap3A_219 : i32 to index
      %swap3A_222 = arith.constant 0 : index
      %swap3A_223 = tpu.vector_load %arg8[%swap3A_220, %swap3A_221, %swap3A_222] {strides = array<i32>} : memref<32x4x64xf32, #tpu.memory_space<vmem>>, vector<1x1x16xf32>,
      %swap3A_224 = vector.shape_cast %swap3A_223 : vector<1x1x16xf32> to vector<16xf32>
      %swap3A_225 = vector.shape_cast %sub3A_203 : vector<16xf32> to vector<1x1x16xf32>
      tpu.vector_store %arg8[%swap3A_220, %swap3A_221, %swap3A_222], %swap3A_225 {strides = array<i32>} : memref<32x4x64xf32, #tpu.memory_space<vmem>>, vector<1x1x16xf32>,
      %swap3A_226 = arith.constant 3 : i32
      %swap3A_227 = arith.index_cast %scan3A_38 : i32 to index
      %swap3A_228 = arith.index_cast %swap3A_226 : i32 to index
      %swap3A_229 = arith.constant 0 : index
      %swap3A_230 = tpu.vector_load %arg8[%swap3A_227, %swap3A_228, %swap3A_229] {strides = array<i32>} : memref<32x4x64xf32, #tpu.memory_space<vmem>>, vector<1x1x16xf32>,
      %swap3A_231 = vector.shape_cast %swap3A_230 : vector<1x1x16xf32> to vector<16xf32>
      %swap3A_232 = vector.shape_cast %sub3A_205 : vector<16xf32> to vector<1x1x16xf32>
      tpu.vector_store %arg8[%swap3A_227, %swap3A_228, %swap3A_229], %swap3A_232 {strides = array<i32>} : memref<32x4x64xf32, #tpu.memory_space<vmem>>, vector<1x1x16xf32>,
      %add3A_233 = arith.constant 0 : i32
      %add3A_234 = arith.addi %mul3A_40, %add3A_233 : i32
      %get3A_235 = arith.index_cast %add3A_234 : i32 to index
      %get3A_236 = arith.constant 16 : index
      %get3A_237 = tpu.vector_load %arg6[%get3A_235, %get3A_236] {strides = array<i32>} : memref<640x64xf32, #tpu.memory_space<vmem>>, vector<1x16xf32>,
      %get3A_238 = vector.shape_cast %get3A_237 : vector<1x16xf32> to vector<1x16xf32>
      %reshape3A_239 = vector.shape_cast %get3A_238 : vector<1x16xf32> to vector<16xf32>
      %add3A_240 = arith.constant 1 : i32
      %add3A_241 = arith.addi %mul3A_40, %add3A_240 : i32
      %get3A_242 = arith.index_cast %add3A_241 : i32 to index
      %get3A_243 = arith.constant 16 : index
      %get3A_244 = tpu.vector_load %arg6[%get3A_242, %get3A_243] {strides = array<i32>} : memref<640x64xf32, #tpu.memory_space<vmem>>, vector<1x16xf32>,
      %get3A_245 = vector.shape_cast %get3A_244 : vector<1x16xf32> to vector<1x16xf32>
      %reshape3A_246 = vector.shape_cast %get3A_245 : vector<1x16xf32> to vector<16xf32>
      %add3A_247 = arith.constant 2 : i32
      %add3A_248 = arith.addi %mul3A_40, %add3A_247 : i32
      %get3A_249 = arith.index_cast %add3A_248 : i32 to index
      %get3A_250 = arith.constant 16 : index
      %get3A_251 = tpu.vector_load %arg6[%get3A_249, %get3A_250] {strides = array<i32>} : memref<640x64xf32, #tpu.memory_space<vmem>>, vector<1x16xf32>,
      %get3A_252 = vector.shape_cast %get3A_251 : vector<1x16xf32> to vector<1x16xf32>
      %reshape3A_253 = vector.shape_cast %get3A_252 : vector<1x16xf32> to vector<16xf32>
      %add3A_254 = arith.constant 3 : i32
      %add3A_255 = arith.addi %mul3A_40, %add3A_254 : i32
      %get3A_256 = arith.index_cast %add3A_255 : i32 to index
      %get3A_257 = arith.constant 16 : index
      %get3A_258 = tpu.vector_load %arg6[%get3A_256, %get3A_257] {strides = array<i32>} : memref<640x64xf32, #tpu.memory_space<vmem>>, vector<1x16xf32>,
      %get3A_259 = vector.shape_cast %get3A_258 : vector<1x16xf32> to vector<1x16xf32>
      %reshape3A_260 = vector.shape_cast %get3A_259 : vector<1x16xf32> to vector<16xf32>
      %add3A_261 = arith.constant 4 : i32
      %add3A_262 = arith.addi %mul3A_40, %add3A_261 : i32
      %get3A_263 = arith.index_cast %add3A_262 : i32 to index
      %get3A_264 = arith.constant 16 : index
      %get3A_265 = tpu.vector_load %arg6[%get3A_263, %get3A_264] {strides = array<i32>} : memref<640x64xf32, #tpu.memory_space<vmem>>, vector<1x16xf32>,
      %get3A_266 = vector.shape_cast %get3A_265 : vector<1x16xf32> to vector<1x16xf32>
      %reshape3A_267 = vector.shape_cast %get3A_266 : vector<1x16xf32> to vector<16xf32>
      %add3A_268 = arith.constant 5 : i32
      %add3A_269 = arith.addi %mul3A_40, %add3A_268 : i32
      %get3A_270 = arith.index_cast %add3A_269 : i32 to index
      %get3A_271 = arith.constant 16 : index
      %get3A_272 = tpu.vector_load %arg6[%get3A_270, %get3A_271] {strides = array<i32>} : memref<640x64xf32, #tpu.memory_space<vmem>>, vector<1x16xf32>,
      %get3A_273 = vector.shape_cast %get3A_272 : vector<1x16xf32> to vector<1x16xf32>
      %reshape3A_274 = vector.shape_cast %get3A_273 : vector<1x16xf32> to vector<16xf32>
      %add3A_275 = arith.constant 6 : i32
      %add3A_276 = arith.addi %mul3A_40, %add3A_275 : i32
      %get3A_277 = arith.index_cast %add3A_276 : i32 to index
      %get3A_278 = arith.constant 16 : index
      %get3A_279 = tpu.vector_load %arg6[%get3A_277, %get3A_278] {strides = array<i32>} : memref<640x64xf32, #tpu.memory_space<vmem>>, vector<1x16xf32>,
      %get3A_280 = vector.shape_cast %get3A_279 : vector<1x16xf32> to vector<1x16xf32>
      %reshape3A_281 = vector.shape_cast %get3A_280 : vector<1x16xf32> to vector<16xf32>
      %add3A_282 = arith.constant 7 : i32
      %add3A_283 = arith.addi %mul3A_40, %add3A_282 : i32
      %get3A_284 = arith.index_cast %add3A_283 : i32 to index
      %get3A_285 = arith.constant 16 : index
      %get3A_286 = tpu.vector_load %arg6[%get3A_284, %get3A_285] {strides = array<i32>} : memref<640x64xf32, #tpu.memory_space<vmem>>, vector<1x16xf32>,
      %get3A_287 = vector.shape_cast %get3A_286 : vector<1x16xf32> to vector<1x16xf32>
      %reshape3A_288 = vector.shape_cast %get3A_287 : vector<1x16xf32> to vector<16xf32>
      %add3A_289 = arith.constant 8 : i32
      %add3A_290 = arith.addi %mul3A_40, %add3A_289 : i32
      %get3A_291 = arith.index_cast %add3A_290 : i32 to index
      %get3A_292 = arith.constant 16 : index
      %get3A_293 = tpu.vector_load %arg6[%get3A_291, %get3A_292] {strides = array<i32>} : memref<640x64xf32, #tpu.memory_space<vmem>>, vector<1x16xf32>,
      %get3A_294 = vector.shape_cast %get3A_293 : vector<1x16xf32> to vector<1x16xf32>
      %reshape3A_295 = vector.shape_cast %get3A_294 : vector<1x16xf32> to vector<16xf32>
      %add3A_296 = arith.constant 9 : i32
      %add3A_297 = arith.addi %mul3A_40, %add3A_296 : i32
      %get3A_298 = arith.index_cast %add3A_297 : i32 to index
      %get3A_299 = arith.constant 16 : index
      %get3A_300 = tpu.vector_load %arg6[%get3A_298, %get3A_299] {strides = array<i32>} : memref<640x64xf32, #tpu.memory_space<vmem>>, vector<1x16xf32>,
      %get3A_301 = vector.shape_cast %get3A_300 : vector<1x16xf32> to vector<1x16xf32>
      %reshape3A_302 = vector.shape_cast %get3A_301 : vector<1x16xf32> to vector<16xf32>
      %add3A_303 = arith.constant 10 : i32
      %add3A_304 = arith.addi %mul3A_40, %add3A_303 : i32
      %get3A_305 = arith.index_cast %add3A_304 : i32 to index
      %get3A_306 = arith.constant 16 : index
      %get3A_307 = tpu.vector_load %arg6[%get3A_305, %get3A_306] {strides = array<i32>} : memref<640x64xf32, #tpu.memory_space<vmem>>, vector<1x16xf32>,
      %get3A_308 = vector.shape_cast %get3A_307 : vector<1x16xf32> to vector<1x16xf32>
      %reshape3A_309 = vector.shape_cast %get3A_308 : vector<1x16xf32> to vector<16xf32>
      %add3A_310 = arith.constant 11 : i32
      %add3A_311 = arith.addi %mul3A_40, %add3A_310 : i32
      %get3A_312 = arith.index_cast %add3A_311 : i32 to index
      %get3A_313 = arith.constant 16 : index
      %get3A_314 = tpu.vector_load %arg6[%get3A_312, %get3A_313] {strides = array<i32>} : memref<640x64xf32, #tpu.memory_space<vmem>>, vector<1x16xf32>,
      %get3A_315 = vector.shape_cast %get3A_314 : vector<1x16xf32> to vector<1x16xf32>
      %reshape3A_316 = vector.shape_cast %get3A_315 : vector<1x16xf32> to vector<16xf32>
      %add3A_317 = arith.constant 12 : i32
      %add3A_318 = arith.addi %mul3A_40, %add3A_317 : i32
      %get3A_319 = arith.index_cast %add3A_318 : i32 to index
      %get3A_320 = arith.constant 16 : index
      %get3A_321 = tpu.vector_load %arg6[%get3A_319, %get3A_320] {strides = array<i32>} : memref<640x64xf32, #tpu.memory_space<vmem>>, vector<1x16xf32>,
      %get3A_322 = vector.shape_cast %get3A_321 : vector<1x16xf32> to vector<1x16xf32>
      %reshape3A_323 = vector.shape_cast %get3A_322 : vector<1x16xf32> to vector<16xf32>
      %add3A_324 = arith.constant 13 : i32
      %add3A_325 = arith.addi %mul3A_40, %add3A_324 : i32
      %get3A_326 = arith.index_cast %add3A_325 : i32 to index
      %get3A_327 = arith.constant 16 : index
      %get3A_328 = tpu.vector_load %arg6[%get3A_326, %get3A_327] {strides = array<i32>} : memref<640x64xf32, #tpu.memory_space<vmem>>, vector<1x16xf32>,
      %get3A_329 = vector.shape_cast %get3A_328 : vector<1x16xf32> to vector<1x16xf32>
      %reshape3A_330 = vector.shape_cast %get3A_329 : vector<1x16xf32> to vector<16xf32>
      %add3A_331 = arith.constant 14 : i32
      %add3A_332 = arith.addi %mul3A_40, %add3A_331 : i32
      %get3A_333 = arith.index_cast %add3A_332 : i32 to index
      %get3A_334 = arith.constant 16 : index
      %get3A_335 = tpu.vector_load %arg6[%get3A_333, %get3A_334] {strides = array<i32>} : memref<640x64xf32, #tpu.memory_space<vmem>>, vector<1x16xf32>,
      %get3A_336 = vector.shape_cast %get3A_335 : vector<1x16xf32> to vector<1x16xf32>
      %reshape3A_337 = vector.shape_cast %get3A_336 : vector<1x16xf32> to vector<16xf32>
      %add3A_338 = arith.constant 15 : i32
      %add3A_339 = arith.addi %mul3A_40, %add3A_338 : i32
      %get3A_340 = arith.index_cast %add3A_339 : i32 to index
      %get3A_341 = arith.constant 16 : index
      %get3A_342 = tpu.vector_load %arg6[%get3A_340, %get3A_341] {strides = array<i32>} : memref<640x64xf32, #tpu.memory_space<vmem>>, vector<1x16xf32>,
      %get3A_343 = vector.shape_cast %get3A_342 : vector<1x16xf32> to vector<1x16xf32>
      %reshape3A_344 = vector.shape_cast %get3A_343 : vector<1x16xf32> to vector<16xf32>
      %add3A_345 = arith.constant 16 : i32
      %add3A_346 = arith.addi %mul3A_40, %add3A_345 : i32
      %get3A_347 = arith.index_cast %add3A_346 : i32 to index
      %get3A_348 = arith.constant 16 : index
      %get3A_349 = tpu.vector_load %arg6[%get3A_347, %get3A_348] {strides = array<i32>} : memref<640x64xf32, #tpu.memory_space<vmem>>, vector<1x16xf32>,
      %get3A_350 = vector.shape_cast %get3A_349 : vector<1x16xf32> to vector<1x16xf32>
      %reshape3A_351 = vector.shape_cast %get3A_350 : vector<1x16xf32> to vector<16xf32>
      %add3A_352 = arith.constant 17 : i32
      %add3A_353 = arith.addi %mul3A_40, %add3A_352 : i32
      %get3A_354 = arith.index_cast %add3A_353 : i32 to index
      %get3A_355 = arith.constant 16 : index
      %get3A_356 = tpu.vector_load %arg6[%get3A_354, %get3A_355] {strides = array<i32>} : memref<640x64xf32, #tpu.memory_space<vmem>>, vector<1x16xf32>,
      %get3A_357 = vector.shape_cast %get3A_356 : vector<1x16xf32> to vector<1x16xf32>
      %reshape3A_358 = vector.shape_cast %get3A_357 : vector<1x16xf32> to vector<16xf32>
      %add3A_359 = arith.constant 18 : i32
      %add3A_360 = arith.addi %mul3A_40, %add3A_359 : i32
      %get3A_361 = arith.index_cast %add3A_360 : i32 to index
      %get3A_362 = arith.constant 16 : index
      %get3A_363 = tpu.vector_load %arg6[%get3A_361, %get3A_362] {strides = array<i32>} : memref<640x64xf32, #tpu.memory_space<vmem>>, vector<1x16xf32>,
      %get3A_364 = vector.shape_cast %get3A_363 : vector<1x16xf32> to vector<1x16xf32>
      %reshape3A_365 = vector.shape_cast %get3A_364 : vector<1x16xf32> to vector<16xf32>
      %add3A_366 = arith.constant 19 : i32
      %add3A_367 = arith.addi %mul3A_40, %add3A_366 : i32
      %get3A_368 = arith.index_cast %add3A_367 : i32 to index
      %get3A_369 = arith.constant 16 : index
      %get3A_370 = tpu.vector_load %arg6[%get3A_368, %get3A_369] {strides = array<i32>} : memref<640x64xf32, #tpu.memory_space<vmem>>, vector<1x16xf32>,
      %get3A_371 = vector.shape_cast %get3A_370 : vector<1x16xf32> to vector<1x16xf32>
      %reshape3A_372 = vector.shape_cast %get3A_371 : vector<1x16xf32> to vector<16xf32>
      %add3A_373 = arith.addf %reshape3A_239, %reshape3A_246 : vector<16xf32>
      %add3A_374 = arith.addf %add3A_373, %reshape3A_253 : vector<16xf32>
      %add3A_375 = arith.addf %add3A_374, %reshape3A_260 : vector<16xf32>
      %add3A_376 = arith.addf %add3A_375, %reshape3A_267 : vector<16xf32>
      %add3A_377 = arith.addf %add3A_376, %reshape3A_274 : vector<16xf32>
      %add3A_378 = arith.addf %add3A_377, %reshape3A_281 : vector<16xf32>
      %add3A_379 = arith.addf %add3A_378, %reshape3A_288 : vector<16xf32>
      %add3A_380 = arith.addf %add3A_379, %reshape3A_295 : vector<16xf32>
      %add3A_381 = arith.addf %add3A_380, %reshape3A_302 : vector<16xf32>
      %add3A_382 = arith.addf %add3A_381, %reshape3A_309 : vector<16xf32>
      %add3A_383 = arith.addf %add3A_382, %reshape3A_316 : vector<16xf32>
      %add3A_384 = arith.addf %add3A_383, %reshape3A_323 : vector<16xf32>
      %add3A_385 = arith.addf %add3A_384, %reshape3A_330 : vector<16xf32>
      %add3A_386 = arith.addf %add3A_385, %reshape3A_337 : vector<16xf32>
      %add3A_387 = arith.addf %add3A_386, %reshape3A_344 : vector<16xf32>
      %add3A_388 = arith.addf %add3A_387, %reshape3A_351 : vector<16xf32>
      %add3A_389 = arith.addf %add3A_388, %reshape3A_358 : vector<16xf32>
      %add3A_390 = arith.addf %add3A_389, %reshape3A_365 : vector<16xf32>
      %add3A_391 = arith.addf %add3A_390, %reshape3A_372 : vector<16xf32>
      %add3A_392 = arith.addf %add3A_391, %reshape3A_19 : vector<16xf32>
      %sub3A_393 = arith.subf %add3A_392, %reshape3A_372 : vector<16xf32>
      %add3A_394 = arith.addf %sub3A_393, %reshape3A_19 : vector<16xf32>
      %sub3A_395 = arith.subf %add3A_394, %reshape3A_365 : vector<16xf32>
      %sub3A_396 = arith.subf %add3A_392, %reshape3A_239 : vector<16xf32>
      %add3A_397 = arith.addf %sub3A_396, %reshape3A_19 : vector<16xf32>
      %sub3A_398 = arith.subf %add3A_397, %reshape3A_246 : vector<16xf32>
      %swap3A_399 = arith.constant 0 : i32
      %swap3A_400 = arith.index_cast %scan3A_38 : i32 to index
      %swap3A_401 = arith.index_cast %swap3A_399 : i32 to index
      %swap3A_402 = arith.constant 16 : index
      %swap3A_403 = tpu.vector_load %arg8[%swap3A_400, %swap3A_401, %swap3A_402] {strides = array<i32>} : memref<32x4x64xf32, #tpu.memory_space<vmem>>, vector<1x1x16xf32>,
      %swap3A_404 = vector.shape_cast %swap3A_403 : vector<1x1x16xf32> to vector<16xf32>
      %swap3A_405 = vector.shape_cast %sub3A_393 : vector<16xf32> to vector<1x1x16xf32>
      tpu.vector_store %arg8[%swap3A_400, %swap3A_401, %swap3A_402], %swap3A_405 {strides = array<i32>} : memref<32x4x64xf32, #tpu.memory_space<vmem>>, vector<1x1x16xf32>,
      %swap3A_406 = arith.constant 1 : i32
      %swap3A_407 = arith.index_cast %scan3A_38 : i32 to index
      %swap3A_408 = arith.index_cast %swap3A_406 : i32 to index
      %swap3A_409 = arith.constant 16 : index
      %swap3A_410 = tpu.vector_load %arg8[%swap3A_407, %swap3A_408, %swap3A_409] {strides = array<i32>} : memref<32x4x64xf32, #tpu.memory_space<vmem>>, vector<1x1x16xf32>,
      %swap3A_411 = vector.shape_cast %swap3A_410 : vector<1x1x16xf32> to vector<16xf32>
      %swap3A_412 = vector.shape_cast %sub3A_395 : vector<16xf32> to vector<1x1x16xf32>
      tpu.vector_store %arg8[%swap3A_407, %swap3A_408, %swap3A_409], %swap3A_412 {strides = array<i32>} : memref<32x4x64xf32, #tpu.memory_space<vmem>>, vector<1x1x16xf32>,
      %swap3A_413 = arith.constant 2 : i32
      %swap3A_414 = arith.index_cast %scan3A_38 : i32 to index
      %swap3A_415 = arith.index_cast %swap3A_413 : i32 to index
      %swap3A_416 = arith.constant 16 : index
      %swap3A_417 = tpu.vector_load %arg8[%swap3A_414, %swap3A_415, %swap3A_416] {strides = array<i32>} : memref<32x4x64xf32, #tpu.memory_space<vmem>>, vector<1x1x16xf32>,
      %swap3A_418 = vector.shape_cast %swap3A_417 : vector<1x1x16xf32> to vector<16xf32>
      %swap3A_419 = vector.shape_cast %sub3A_396 : vector<16xf32> to vector<1x1x16xf32>
      tpu.vector_store %arg8[%swap3A_414, %swap3A_415, %swap3A_416], %swap3A_419 {strides = array<i32>} : memref<32x4x64xf32, #tpu.memory_space<vmem>>, vector<1x1x16xf32>,
      %swap3A_420 = arith.constant 3 : i32
      %swap3A_421 = arith.index_cast %scan3A_38 : i32 to index
      %swap3A_422 = arith.index_cast %swap3A_420 : i32 to index
      %swap3A_423 = arith.constant 16 : index
      %swap3A_424 = tpu.vector_load %arg8[%swap3A_421, %swap3A_422, %swap3A_423] {strides = array<i32>} : memref<32x4x64xf32, #tpu.memory_space<vmem>>, vector<1x1x16xf32>,
      %swap3A_425 = vector.shape_cast %swap3A_424 : vector<1x1x16xf32> to vector<16xf32>
      %swap3A_426 = vector.shape_cast %sub3A_398 : vector<16xf32> to vector<1x1x16xf32>
      tpu.vector_store %arg8[%swap3A_421, %swap3A_422, %swap3A_423], %swap3A_426 {strides = array<i32>} : memref<32x4x64xf32, #tpu.memory_space<vmem>>, vector<1x1x16xf32>,
      %add3A_427 = arith.constant 0 : i32
      %add3A_428 = arith.addi %mul3A_40, %add3A_427 : i32
      %get3A_429 = arith.index_cast %add3A_428 : i32 to index
      %get3A_430 = arith.constant 32 : index
      %get3A_431 = tpu.vector_load %arg6[%get3A_429, %get3A_430] {strides = array<i32>} : memref<640x64xf32, #tpu.memory_space<vmem>>, vector<1x16xf32>,
      %get3A_432 = vector.shape_cast %get3A_431 : vector<1x16xf32> to vector<1x16xf32>
      %reshape3A_433 = vector.shape_cast %get3A_432 : vector<1x16xf32> to vector<16xf32>
      %add3A_434 = arith.constant 1 : i32
      %add3A_435 = arith.addi %mul3A_40, %add3A_434 : i32
      %get3A_436 = arith.index_cast %add3A_435 : i32 to index
      %get3A_437 = arith.constant 32 : index
      %get3A_438 = tpu.vector_load %arg6[%get3A_436, %get3A_437] {strides = array<i32>} : memref<640x64xf32, #tpu.memory_space<vmem>>, vector<1x16xf32>,
      %get3A_439 = vector.shape_cast %get3A_438 : vector<1x16xf32> to vector<1x16xf32>
      %reshape3A_440 = vector.shape_cast %get3A_439 : vector<1x16xf32> to vector<16xf32>
      %add3A_441 = arith.constant 2 : i32
      %add3A_442 = arith.addi %mul3A_40, %add3A_441 : i32
      %get3A_443 = arith.index_cast %add3A_442 : i32 to index
      %get3A_444 = arith.constant 32 : index
      %get3A_445 = tpu.vector_load %arg6[%get3A_443, %get3A_444] {strides = array<i32>} : memref<640x64xf32, #tpu.memory_space<vmem>>, vector<1x16xf32>,
      %get3A_446 = vector.shape_cast %get3A_445 : vector<1x16xf32> to vector<1x16xf32>
      %reshape3A_447 = vector.shape_cast %get3A_446 : vector<1x16xf32> to vector<16xf32>
      %add3A_448 = arith.constant 3 : i32
      %add3A_449 = arith.addi %mul3A_40, %add3A_448 : i32
      %get3A_450 = arith.index_cast %add3A_449 : i32 to index
      %get3A_451 = arith.constant 32 : index
      %get3A_452 = tpu.vector_load %arg6[%get3A_450, %get3A_451] {strides = array<i32>} : memref<640x64xf32, #tpu.memory_space<vmem>>, vector<1x16xf32>,
      %get3A_453 = vector.shape_cast %get3A_452 : vector<1x16xf32> to vector<1x16xf32>
      %reshape3A_454 = vector.shape_cast %get3A_453 : vector<1x16xf32> to vector<16xf32>
      %add3A_455 = arith.constant 4 : i32
      %add3A_456 = arith.addi %mul3A_40, %add3A_455 : i32
      %get3A_457 = arith.index_cast %add3A_456 : i32 to index
      %get3A_458 = arith.constant 32 : index
      %get3A_459 = tpu.vector_load %arg6[%get3A_457, %get3A_458] {strides = array<i32>} : memref<640x64xf32, #tpu.memory_space<vmem>>, vector<1x16xf32>,
      %get3A_460 = vector.shape_cast %get3A_459 : vector<1x16xf32> to vector<1x16xf32>
      %reshape3A_461 = vector.shape_cast %get3A_460 : vector<1x16xf32> to vector<16xf32>
      %add3A_462 = arith.constant 5 : i32
      %add3A_463 = arith.addi %mul3A_40, %add3A_462 : i32
      %get3A_464 = arith.index_cast %add3A_463 : i32 to index
      %get3A_465 = arith.constant 32 : index
      %get3A_466 = tpu.vector_load %arg6[%get3A_464, %get3A_465] {strides = array<i32>} : memref<640x64xf32, #tpu.memory_space<vmem>>, vector<1x16xf32>,
      %get3A_467 = vector.shape_cast %get3A_466 : vector<1x16xf32> to vector<1x16xf32>
      %reshape3A_468 = vector.shape_cast %get3A_467 : vector<1x16xf32> to vector<16xf32>
      %add3A_469 = arith.constant 6 : i32
      %add3A_470 = arith.addi %mul3A_40, %add3A_469 : i32
      %get3A_471 = arith.index_cast %add3A_470 : i32 to index
      %get3A_472 = arith.constant 32 : index
      %get3A_473 = tpu.vector_load %arg6[%get3A_471, %get3A_472] {strides = array<i32>} : memref<640x64xf32, #tpu.memory_space<vmem>>, vector<1x16xf32>,
      %get3A_474 = vector.shape_cast %get3A_473 : vector<1x16xf32> to vector<1x16xf32>
      %reshape3A_475 = vector.shape_cast %get3A_474 : vector<1x16xf32> to vector<16xf32>
      %add3A_476 = arith.constant 7 : i32
      %add3A_477 = arith.addi %mul3A_40, %add3A_476 : i32
      %get3A_478 = arith.index_cast %add3A_477 : i32 to index
      %get3A_479 = arith.constant 32 : index
      %get3A_480 = tpu.vector_load %arg6[%get3A_478, %get3A_479] {strides = array<i32>} : memref<640x64xf32, #tpu.memory_space<vmem>>, vector<1x16xf32>,
      %get3A_481 = vector.shape_cast %get3A_480 : vector<1x16xf32> to vector<1x16xf32>
      %reshape3A_482 = vector.shape_cast %get3A_481 : vector<1x16xf32> to vector<16xf32>
      %add3A_483 = arith.constant 8 : i32
      %add3A_484 = arith.addi %mul3A_40, %add3A_483 : i32
      %get3A_485 = arith.index_cast %add3A_484 : i32 to index
      %get3A_486 = arith.constant 32 : index
      %get3A_487 = tpu.vector_load %arg6[%get3A_485, %get3A_486] {strides = array<i32>} : memref<640x64xf32, #tpu.memory_space<vmem>>, vector<1x16xf32>,
      %get3A_488 = vector.shape_cast %get3A_487 : vector<1x16xf32> to vector<1x16xf32>
      %reshape3A_489 = vector.shape_cast %get3A_488 : vector<1x16xf32> to vector<16xf32>
      %add3A_490 = arith.constant 9 : i32
      %add3A_491 = arith.addi %mul3A_40, %add3A_490 : i32
      %get3A_492 = arith.index_cast %add3A_491 : i32 to index
      %get3A_493 = arith.constant 32 : index
      %get3A_494 = tpu.vector_load %arg6[%get3A_492, %get3A_493] {strides = array<i32>} : memref<640x64xf32, #tpu.memory_space<vmem>>, vector<1x16xf32>,
      %get3A_495 = vector.shape_cast %get3A_494 : vector<1x16xf32> to vector<1x16xf32>
      %reshape3A_496 = vector.shape_cast %get3A_495 : vector<1x16xf32> to vector<16xf32>
      %add3A_497 = arith.constant 10 : i32
      %add3A_498 = arith.addi %mul3A_40, %add3A_497 : i32
      %get3A_499 = arith.index_cast %add3A_498 : i32 to index
      %get3A_500 = arith.constant 32 : index
      %get3A_501 = tpu.vector_load %arg6[%get3A_499, %get3A_500] {strides = array<i32>} : memref<640x64xf32, #tpu.memory_space<vmem>>, vector<1x16xf32>,
      %get3A_502 = vector.shape_cast %get3A_501 : vector<1x16xf32> to vector<1x16xf32>
      %reshape3A_503 = vector.shape_cast %get3A_502 : vector<1x16xf32> to vector<16xf32>
      %add3A_504 = arith.constant 11 : i32
      %add3A_505 = arith.addi %mul3A_40, %add3A_504 : i32
      %get3A_506 = arith.index_cast %add3A_505 : i32 to index
      %get3A_507 = arith.constant 32 : index
      %get3A_508 = tpu.vector_load %arg6[%get3A_506, %get3A_507] {strides = array<i32>} : memref<640x64xf32, #tpu.memory_space<vmem>>, vector<1x16xf32>,
      %get3A_509 = vector.shape_cast %get3A_508 : vector<1x16xf32> to vector<1x16xf32>
      %reshape3A_510 = vector.shape_cast %get3A_509 : vector<1x16xf32> to vector<16xf32>
      %add3A_511 = arith.constant 12 : i32
      %add3A_512 = arith.addi %mul3A_40, %add3A_511 : i32
      %get3A_513 = arith.index_cast %add3A_512 : i32 to index
      %get3A_514 = arith.constant 32 : index
      %get3A_515 = tpu.vector_load %arg6[%get3A_513, %get3A_514] {strides = array<i32>} : memref<640x64xf32, #tpu.memory_space<vmem>>, vector<1x16xf32>,
      %get3A_516 = vector.shape_cast %get3A_515 : vector<1x16xf32> to vector<1x16xf32>
      %reshape3A_517 = vector.shape_cast %get3A_516 : vector<1x16xf32> to vector<16xf32>
      %add3A_518 = arith.constant 13 : i32
      %add3A_519 = arith.addi %mul3A_40, %add3A_518 : i32
      %get3A_520 = arith.index_cast %add3A_519 : i32 to index
      %get3A_521 = arith.constant 32 : index
      %get3A_522 = tpu.vector_load %arg6[%get3A_520, %get3A_521] {strides = array<i32>} : memref<640x64xf32, #tpu.memory_space<vmem>>, vector<1x16xf32>,
      %get3A_523 = vector.shape_cast %get3A_522 : vector<1x16xf32> to vector<1x16xf32>
      %reshape3A_524 = vector.shape_cast %get3A_523 : vector<1x16xf32> to vector<16xf32>
      %add3A_525 = arith.constant 14 : i32
      %add3A_526 = arith.addi %mul3A_40, %add3A_525 : i32
      %get3A_527 = arith.index_cast %add3A_526 : i32 to index
      %get3A_528 = arith.constant 32 : index
      %get3A_529 = tpu.vector_load %arg6[%get3A_527, %get3A_528] {strides = array<i32>} : memref<640x64xf32, #tpu.memory_space<vmem>>, vector<1x16xf32>,
      %get3A_530 = vector.shape_cast %get3A_529 : vector<1x16xf32> to vector<1x16xf32>
      %reshape3A_531 = vector.shape_cast %get3A_530 : vector<1x16xf32> to vector<16xf32>
      %add3A_532 = arith.constant 15 : i32
      %add3A_533 = arith.addi %mul3A_40, %add3A_532 : i32
      %get3A_534 = arith.index_cast %add3A_533 : i32 to index
      %get3A_535 = arith.constant 32 : index
      %get3A_536 = tpu.vector_load %arg6[%get3A_534, %get3A_535] {strides = array<i32>} : memref<640x64xf32, #tpu.memory_space<vmem>>, vector<1x16xf32>,
      %get3A_537 = vector.shape_cast %get3A_536 : vector<1x16xf32> to vector<1x16xf32>
      %reshape3A_538 = vector.shape_cast %get3A_537 : vector<1x16xf32> to vector<16xf32>
      %add3A_539 = arith.constant 16 : i32
      %add3A_540 = arith.addi %mul3A_40, %add3A_539 : i32
      %get3A_541 = arith.index_cast %add3A_540 : i32 to index
      %get3A_542 = arith.constant 32 : index
      %get3A_543 = tpu.vector_load %arg6[%get3A_541, %get3A_542] {strides = array<i32>} : memref<640x64xf32, #tpu.memory_space<vmem>>, vector<1x16xf32>,
      %get3A_544 = vector.shape_cast %get3A_543 : vector<1x16xf32> to vector<1x16xf32>
      %reshape3A_545 = vector.shape_cast %get3A_544 : vector<1x16xf32> to vector<16xf32>
      %add3A_546 = arith.constant 17 : i32
      %add3A_547 = arith.addi %mul3A_40, %add3A_546 : i32
      %get3A_548 = arith.index_cast %add3A_547 : i32 to index
      %get3A_549 = arith.constant 32 : index
      %get3A_550 = tpu.vector_load %arg6[%get3A_548, %get3A_549] {strides = array<i32>} : memref<640x64xf32, #tpu.memory_space<vmem>>, vector<1x16xf32>,
      %get3A_551 = vector.shape_cast %get3A_550 : vector<1x16xf32> to vector<1x16xf32>
      %reshape3A_552 = vector.shape_cast %get3A_551 : vector<1x16xf32> to vector<16xf32>
      %add3A_553 = arith.constant 18 : i32
      %add3A_554 = arith.addi %mul3A_40, %add3A_553 : i32
      %get3A_555 = arith.index_cast %add3A_554 : i32 to index
      %get3A_556 = arith.constant 32 : index
      %get3A_557 = tpu.vector_load %arg6[%get3A_555, %get3A_556] {strides = array<i32>} : memref<640x64xf32, #tpu.memory_space<vmem>>, vector<1x16xf32>,
      %get3A_558 = vector.shape_cast %get3A_557 : vector<1x16xf32> to vector<1x16xf32>
      %reshape3A_559 = vector.shape_cast %get3A_558 : vector<1x16xf32> to vector<16xf32>
      %add3A_560 = arith.constant 19 : i32
      %add3A_561 = arith.addi %mul3A_40, %add3A_560 : i32
      %get3A_562 = arith.index_cast %add3A_561 : i32 to index
      %get3A_563 = arith.constant 32 : index
      %get3A_564 = tpu.vector_load %arg6[%get3A_562, %get3A_563] {strides = array<i32>} : memref<640x64xf32, #tpu.memory_space<vmem>>, vector<1x16xf32>,
      %get3A_565 = vector.shape_cast %get3A_564 : vector<1x16xf32> to vector<1x16xf32>
      %reshape3A_566 = vector.shape_cast %get3A_565 : vector<1x16xf32> to vector<16xf32>
      %add3A_567 = arith.addf %reshape3A_433, %reshape3A_440 : vector<16xf32>
      %add3A_568 = arith.addf %add3A_567, %reshape3A_447 : vector<16xf32>
      %add3A_569 = arith.addf %add3A_568, %reshape3A_454 : vector<16xf32>
      %add3A_570 = arith.addf %add3A_569, %reshape3A_461 : vector<16xf32>
      %add3A_571 = arith.addf %add3A_570, %reshape3A_468 : vector<16xf32>
      %add3A_572 = arith.addf %add3A_571, %reshape3A_475 : vector<16xf32>
      %add3A_573 = arith.addf %add3A_572, %reshape3A_482 : vector<16xf32>
      %add3A_574 = arith.addf %add3A_573, %reshape3A_489 : vector<16xf32>
      %add3A_575 = arith.addf %add3A_574, %reshape3A_496 : vector<16xf32>
      %add3A_576 = arith.addf %add3A_575, %reshape3A_503 : vector<16xf32>
      %add3A_577 = arith.addf %add3A_576, %reshape3A_510 : vector<16xf32>
      %add3A_578 = arith.addf %add3A_577, %reshape3A_517 : vector<16xf32>
      %add3A_579 = arith.addf %add3A_578, %reshape3A_524 : vector<16xf32>
      %add3A_580 = arith.addf %add3A_579, %reshape3A_531 : vector<16xf32>
      %add3A_581 = arith.addf %add3A_580, %reshape3A_538 : vector<16xf32>
      %add3A_582 = arith.addf %add3A_581, %reshape3A_545 : vector<16xf32>
      %add3A_583 = arith.addf %add3A_582, %reshape3A_552 : vector<16xf32>
      %add3A_584 = arith.addf %add3A_583, %reshape3A_559 : vector<16xf32>
      %add3A_585 = arith.addf %add3A_584, %reshape3A_566 : vector<16xf32>
      %add3A_586 = arith.addf %add3A_585, %reshape3A_24 : vector<16xf32>
      %sub3A_587 = arith.subf %add3A_586, %reshape3A_566 : vector<16xf32>
      %add3A_588 = arith.addf %sub3A_587, %reshape3A_24 : vector<16xf32>
      %sub3A_589 = arith.subf %add3A_588, %reshape3A_559 : vector<16xf32>
      %sub3A_590 = arith.subf %add3A_586, %reshape3A_433 : vector<16xf32>
      %add3A_591 = arith.addf %sub3A_590, %reshape3A_24 : vector<16xf32>
      %sub3A_592 = arith.subf %add3A_591, %reshape3A_440 : vector<16xf32>
      %swap3A_593 = arith.constant 0 : i32
      %swap3A_594 = arith.index_cast %scan3A_38 : i32 to index
      %swap3A_595 = arith.index_cast %swap3A_593 : i32 to index
      %swap3A_596 = arith.constant 32 : index
      %swap3A_597 = tpu.vector_load %arg8[%swap3A_594, %swap3A_595, %swap3A_596] {strides = array<i32>} : memref<32x4x64xf32, #tpu.memory_space<vmem>>, vector<1x1x16xf32>,
      %swap3A_598 = vector.shape_cast %swap3A_597 : vector<1x1x16xf32> to vector<16xf32>
      %swap3A_599 = vector.shape_cast %sub3A_587 : vector<16xf32> to vector<1x1x16xf32>
      tpu.vector_store %arg8[%swap3A_594, %swap3A_595, %swap3A_596], %swap3A_599 {strides = array<i32>} : memref<32x4x64xf32, #tpu.memory_space<vmem>>, vector<1x1x16xf32>,
      %swap3A_600 = arith.constant 1 : i32
      %swap3A_601 = arith.index_cast %scan3A_38 : i32 to index
      %swap3A_602 = arith.index_cast %swap3A_600 : i32 to index
      %swap3A_603 = arith.constant 32 : index
      %swap3A_604 = tpu.vector_load %arg8[%swap3A_601, %swap3A_602, %swap3A_603] {strides = array<i32>} : memref<32x4x64xf32, #tpu.memory_space<vmem>>, vector<1x1x16xf32>,
      %swap3A_605 = vector.shape_cast %swap3A_604 : vector<1x1x16xf32> to vector<16xf32>
      %swap3A_606 = vector.shape_cast %sub3A_589 : vector<16xf32> to vector<1x1x16xf32>
      tpu.vector_store %arg8[%swap3A_601, %swap3A_602, %swap3A_603], %swap3A_606 {strides = array<i32>} : memref<32x4x64xf32, #tpu.memory_space<vmem>>, vector<1x1x16xf32>,
      %swap3A_607 = arith.constant 2 : i32
      %swap3A_608 = arith.index_cast %scan3A_38 : i32 to index
      %swap3A_609 = arith.index_cast %swap3A_607 : i32 to index
      %swap3A_610 = arith.constant 32 : index
      %swap3A_611 = tpu.vector_load %arg8[%swap3A_608, %swap3A_609, %swap3A_610] {strides = array<i32>} : memref<32x4x64xf32, #tpu.memory_space<vmem>>, vector<1x1x16xf32>,
      %swap3A_612 = vector.shape_cast %swap3A_611 : vector<1x1x16xf32> to vector<16xf32>
      %swap3A_613 = vector.shape_cast %sub3A_590 : vector<16xf32> to vector<1x1x16xf32>
      tpu.vector_store %arg8[%swap3A_608, %swap3A_609, %swap3A_610], %swap3A_613 {strides = array<i32>} : memref<32x4x64xf32, #tpu.memory_space<vmem>>, vector<1x1x16xf32>,
      %swap3A_614 = arith.constant 3 : i32
      %swap3A_615 = arith.index_cast %scan3A_38 : i32 to index
      %swap3A_616 = arith.index_cast %swap3A_614 : i32 to index
      %swap3A_617 = arith.constant 32 : index
      %swap3A_618 = tpu.vector_load %arg8[%swap3A_615, %swap3A_616, %swap3A_617] {strides = array<i32>} : memref<32x4x64xf32, #tpu.memory_space<vmem>>, vector<1x1x16xf32>,
      %swap3A_619 = vector.shape_cast %swap3A_618 : vector<1x1x16xf32> to vector<16xf32>
      %swap3A_620 = vector.shape_cast %sub3A_592 : vector<16xf32> to vector<1x1x16xf32>
      tpu.vector_store %arg8[%swap3A_615, %swap3A_616, %swap3A_617], %swap3A_620 {strides = array<i32>} : memref<32x4x64xf32, #tpu.memory_space<vmem>>, vector<1x1x16xf32>,
      %add3A_621 = arith.constant 0 : i32
      %add3A_622 = arith.addi %mul3A_40, %add3A_621 : i32
      %get3A_623 = arith.index_cast %add3A_622 : i32 to index
      %get3A_624 = arith.constant 48 : index
      %get3A_625 = tpu.vector_load %arg6[%get3A_623, %get3A_624] {strides = array<i32>} : memref<640x64xf32, #tpu.memory_space<vmem>>, vector<1x16xf32>,
      %get3A_626 = vector.shape_cast %get3A_625 : vector<1x16xf32> to vector<1x16xf32>
      %reshape3A_627 = vector.shape_cast %get3A_626 : vector<1x16xf32> to vector<16xf32>
      %add3A_628 = arith.constant 1 : i32
      %add3A_629 = arith.addi %mul3A_40, %add3A_628 : i32
      %get3A_630 = arith.index_cast %add3A_629 : i32 to index
      %get3A_631 = arith.constant 48 : index
      %get3A_632 = tpu.vector_load %arg6[%get3A_630, %get3A_631] {strides = array<i32>} : memref<640x64xf32, #tpu.memory_space<vmem>>, vector<1x16xf32>,
      %get3A_633 = vector.shape_cast %get3A_632 : vector<1x16xf32> to vector<1x16xf32>
      %reshape3A_634 = vector.shape_cast %get3A_633 : vector<1x16xf32> to vector<16xf32>
      %add3A_635 = arith.constant 2 : i32
      %add3A_636 = arith.addi %mul3A_40, %add3A_635 : i32
      %get3A_637 = arith.index_cast %add3A_636 : i32 to index
      %get3A_638 = arith.constant 48 : index
      %get3A_639 = tpu.vector_load %arg6[%get3A_637, %get3A_638] {strides = array<i32>} : memref<640x64xf32, #tpu.memory_space<vmem>>, vector<1x16xf32>,
      %get3A_640 = vector.shape_cast %get3A_639 : vector<1x16xf32> to vector<1x16xf32>
      %reshape3A_641 = vector.shape_cast %get3A_640 : vector<1x16xf32> to vector<16xf32>
      %add3A_642 = arith.constant 3 : i32
      %add3A_643 = arith.addi %mul3A_40, %add3A_642 : i32
      %get3A_644 = arith.index_cast %add3A_643 : i32 to index
      %get3A_645 = arith.constant 48 : index
      %get3A_646 = tpu.vector_load %arg6[%get3A_644, %get3A_645] {strides = array<i32>} : memref<640x64xf32, #tpu.memory_space<vmem>>, vector<1x16xf32>,
      %get3A_647 = vector.shape_cast %get3A_646 : vector<1x16xf32> to vector<1x16xf32>
      %reshape3A_648 = vector.shape_cast %get3A_647 : vector<1x16xf32> to vector<16xf32>
      %add3A_649 = arith.constant 4 : i32
      %add3A_650 = arith.addi %mul3A_40, %add3A_649 : i32
      %get3A_651 = arith.index_cast %add3A_650 : i32 to index
      %get3A_652 = arith.constant 48 : index
      %get3A_653 = tpu.vector_load %arg6[%get3A_651, %get3A_652] {strides = array<i32>} : memref<640x64xf32, #tpu.memory_space<vmem>>, vector<1x16xf32>,
      %get3A_654 = vector.shape_cast %get3A_653 : vector<1x16xf32> to vector<1x16xf32>
      %reshape3A_655 = vector.shape_cast %get3A_654 : vector<1x16xf32> to vector<16xf32>
      %add3A_656 = arith.constant 5 : i32
      %add3A_657 = arith.addi %mul3A_40, %add3A_656 : i32
      %get3A_658 = arith.index_cast %add3A_657 : i32 to index
      %get3A_659 = arith.constant 48 : index
      %get3A_660 = tpu.vector_load %arg6[%get3A_658, %get3A_659] {strides = array<i32>} : memref<640x64xf32, #tpu.memory_space<vmem>>, vector<1x16xf32>,
      %get3A_661 = vector.shape_cast %get3A_660 : vector<1x16xf32> to vector<1x16xf32>
      %reshape3A_662 = vector.shape_cast %get3A_661 : vector<1x16xf32> to vector<16xf32>
      %add3A_663 = arith.constant 6 : i32
      %add3A_664 = arith.addi %mul3A_40, %add3A_663 : i32
      %get3A_665 = arith.index_cast %add3A_664 : i32 to index
      %get3A_666 = arith.constant 48 : index
      %get3A_667 = tpu.vector_load %arg6[%get3A_665, %get3A_666] {strides = array<i32>} : memref<640x64xf32, #tpu.memory_space<vmem>>, vector<1x16xf32>,
      %get3A_668 = vector.shape_cast %get3A_667 : vector<1x16xf32> to vector<1x16xf32>
      %reshape3A_669 = vector.shape_cast %get3A_668 : vector<1x16xf32> to vector<16xf32>
      %add3A_670 = arith.constant 7 : i32
      %add3A_671 = arith.addi %mul3A_40, %add3A_670 : i32
      %get3A_672 = arith.index_cast %add3A_671 : i32 to index
      %get3A_673 = arith.constant 48 : index
      %get3A_674 = tpu.vector_load %arg6[%get3A_672, %get3A_673] {strides = array<i32>} : memref<640x64xf32, #tpu.memory_space<vmem>>, vector<1x16xf32>,
      %get3A_675 = vector.shape_cast %get3A_674 : vector<1x16xf32> to vector<1x16xf32>
      %reshape3A_676 = vector.shape_cast %get3A_675 : vector<1x16xf32> to vector<16xf32>
      %add3A_677 = arith.constant 8 : i32
      %add3A_678 = arith.addi %mul3A_40, %add3A_677 : i32
      %get3A_679 = arith.index_cast %add3A_678 : i32 to index
      %get3A_680 = arith.constant 48 : index
      %get3A_681 = tpu.vector_load %arg6[%get3A_679, %get3A_680] {strides = array<i32>} : memref<640x64xf32, #tpu.memory_space<vmem>>, vector<1x16xf32>,
      %get3A_682 = vector.shape_cast %get3A_681 : vector<1x16xf32> to vector<1x16xf32>
      %reshape3A_683 = vector.shape_cast %get3A_682 : vector<1x16xf32> to vector<16xf32>
      %add3A_684 = arith.constant 9 : i32
      %add3A_685 = arith.addi %mul3A_40, %add3A_684 : i32
      %get3A_686 = arith.index_cast %add3A_685 : i32 to index
      %get3A_687 = arith.constant 48 : index
      %get3A_688 = tpu.vector_load %arg6[%get3A_686, %get3A_687] {strides = array<i32>} : memref<640x64xf32, #tpu.memory_space<vmem>>, vector<1x16xf32>,
      %get3A_689 = vector.shape_cast %get3A_688 : vector<1x16xf32> to vector<1x16xf32>
      %reshape3A_690 = vector.shape_cast %get3A_689 : vector<1x16xf32> to vector<16xf32>
      %add3A_691 = arith.constant 10 : i32
      %add3A_692 = arith.addi %mul3A_40, %add3A_691 : i32
      %get3A_693 = arith.index_cast %add3A_692 : i32 to index
      %get3A_694 = arith.constant 48 : index
      %get3A_695 = tpu.vector_load %arg6[%get3A_693, %get3A_694] {strides = array<i32>} : memref<640x64xf32, #tpu.memory_space<vmem>>, vector<1x16xf32>,
      %get3A_696 = vector.shape_cast %get3A_695 : vector<1x16xf32> to vector<1x16xf32>
      %reshape3A_697 = vector.shape_cast %get3A_696 : vector<1x16xf32> to vector<16xf32>
      %add3A_698 = arith.constant 11 : i32
      %add3A_699 = arith.addi %mul3A_40, %add3A_698 : i32
      %get3A_700 = arith.index_cast %add3A_699 : i32 to index
      %get3A_701 = arith.constant 48 : index
      %get3A_702 = tpu.vector_load %arg6[%get3A_700, %get3A_701] {strides = array<i32>} : memref<640x64xf32, #tpu.memory_space<vmem>>, vector<1x16xf32>,
      %get3A_703 = vector.shape_cast %get3A_702 : vector<1x16xf32> to vector<1x16xf32>
      %reshape3A_704 = vector.shape_cast %get3A_703 : vector<1x16xf32> to vector<16xf32>
      %add3A_705 = arith.constant 12 : i32
      %add3A_706 = arith.addi %mul3A_40, %add3A_705 : i32
      %get3A_707 = arith.index_cast %add3A_706 : i32 to index
      %get3A_708 = arith.constant 48 : index
      %get3A_709 = tpu.vector_load %arg6[%get3A_707, %get3A_708] {strides = array<i32>} : memref<640x64xf32, #tpu.memory_space<vmem>>, vector<1x16xf32>,
      %get3A_710 = vector.shape_cast %get3A_709 : vector<1x16xf32> to vector<1x16xf32>
      %reshape3A_711 = vector.shape_cast %get3A_710 : vector<1x16xf32> to vector<16xf32>
      %add3A_712 = arith.constant 13 : i32
      %add3A_713 = arith.addi %mul3A_40, %add3A_712 : i32
      %get3A_714 = arith.index_cast %add3A_713 : i32 to index
      %get3A_715 = arith.constant 48 : index
      %get3A_716 = tpu.vector_load %arg6[%get3A_714, %get3A_715] {strides = array<i32>} : memref<640x64xf32, #tpu.memory_space<vmem>>, vector<1x16xf32>,
      %get3A_717 = vector.shape_cast %get3A_716 : vector<1x16xf32> to vector<1x16xf32>
      %reshape3A_718 = vector.shape_cast %get3A_717 : vector<1x16xf32> to vector<16xf32>
      %add3A_719 = arith.constant 14 : i32
      %add3A_720 = arith.addi %mul3A_40, %add3A_719 : i32
      %get3A_721 = arith.index_cast %add3A_720 : i32 to index
      %get3A_722 = arith.constant 48 : index
      %get3A_723 = tpu.vector_load %arg6[%get3A_721, %get3A_722] {strides = array<i32>} : memref<640x64xf32, #tpu.memory_space<vmem>>, vector<1x16xf32>,
      %get3A_724 = vector.shape_cast %get3A_723 : vector<1x16xf32> to vector<1x16xf32>
      %reshape3A_725 = vector.shape_cast %get3A_724 : vector<1x16xf32> to vector<16xf32>
      %add3A_726 = arith.constant 15 : i32
      %add3A_727 = arith.addi %mul3A_40, %add3A_726 : i32
      %get3A_728 = arith.index_cast %add3A_727 : i32 to index
      %get3A_729 = arith.constant 48 : index
      %get3A_730 = tpu.vector_load %arg6[%get3A_728, %get3A_729] {strides = array<i32>} : memref<640x64xf32, #tpu.memory_space<vmem>>, vector<1x16xf32>,
      %get3A_731 = vector.shape_cast %get3A_730 : vector<1x16xf32> to vector<1x16xf32>
      %reshape3A_732 = vector.shape_cast %get3A_731 : vector<1x16xf32> to vector<16xf32>
      %add3A_733 = arith.constant 16 : i32
      %add3A_734 = arith.addi %mul3A_40, %add3A_733 : i32
      %get3A_735 = arith.index_cast %add3A_734 : i32 to index
      %get3A_736 = arith.constant 48 : index
      %get3A_737 = tpu.vector_load %arg6[%get3A_735, %get3A_736] {strides = array<i32>} : memref<640x64xf32, #tpu.memory_space<vmem>>, vector<1x16xf32>,
      %get3A_738 = vector.shape_cast %get3A_737 : vector<1x16xf32> to vector<1x16xf32>
      %reshape3A_739 = vector.shape_cast %get3A_738 : vector<1x16xf32> to vector<16xf32>
      %add3A_740 = arith.constant 17 : i32
      %add3A_741 = arith.addi %mul3A_40, %add3A_740 : i32
      %get3A_742 = arith.index_cast %add3A_741 : i32 to index
      %get3A_743 = arith.constant 48 : index
      %get3A_744 = tpu.vector_load %arg6[%get3A_742, %get3A_743] {strides = array<i32>} : memref<640x64xf32, #tpu.memory_space<vmem>>, vector<1x16xf32>,
      %get3A_745 = vector.shape_cast %get3A_744 : vector<1x16xf32> to vector<1x16xf32>
      %reshape3A_746 = vector.shape_cast %get3A_745 : vector<1x16xf32> to vector<16xf32>
      %add3A_747 = arith.constant 18 : i32
      %add3A_748 = arith.addi %mul3A_40, %add3A_747 : i32
      %get3A_749 = arith.index_cast %add3A_748 : i32 to index
      %get3A_750 = arith.constant 48 : index
      %get3A_751 = tpu.vector_load %arg6[%get3A_749, %get3A_750] {strides = array<i32>} : memref<640x64xf32, #tpu.memory_space<vmem>>, vector<1x16xf32>,
      %get3A_752 = vector.shape_cast %get3A_751 : vector<1x16xf32> to vector<1x16xf32>
      %reshape3A_753 = vector.shape_cast %get3A_752 : vector<1x16xf32> to vector<16xf32>
      %add3A_754 = arith.constant 19 : i32
      %add3A_755 = arith.addi %mul3A_40, %add3A_754 : i32
      %get3A_756 = arith.index_cast %add3A_755 : i32 to index
      %get3A_757 = arith.constant 48 : index
      %get3A_758 = tpu.vector_load %arg6[%get3A_756, %get3A_757] {strides = array<i32>} : memref<640x64xf32, #tpu.memory_space<vmem>>, vector<1x16xf32>,
      %get3A_759 = vector.shape_cast %get3A_758 : vector<1x16xf32> to vector<1x16xf32>
      %reshape3A_760 = vector.shape_cast %get3A_759 : vector<1x16xf32> to vector<16xf32>
      %add3A_761 = arith.addf %reshape3A_627, %reshape3A_634 : vector<16xf32>
      %add3A_762 = arith.addf %add3A_761, %reshape3A_641 : vector<16xf32>
      %add3A_763 = arith.addf %add3A_762, %reshape3A_648 : vector<16xf32>
      %add3A_764 = arith.addf %add3A_763, %reshape3A_655 : vector<16xf32>
      %add3A_765 = arith.addf %add3A_764, %reshape3A_662 : vector<16xf32>
      %add3A_766 = arith.addf %add3A_765, %reshape3A_669 : vector<16xf32>
      %add3A_767 = arith.addf %add3A_766, %reshape3A_676 : vector<16xf32>
      %add3A_768 = arith.addf %add3A_767, %reshape3A_683 : vector<16xf32>
      %add3A_769 = arith.addf %add3A_768, %reshape3A_690 : vector<16xf32>
      %add3A_770 = arith.addf %add3A_769, %reshape3A_697 : vector<16xf32>
      %add3A_771 = arith.addf %add3A_770, %reshape3A_704 : vector<16xf32>
      %add3A_772 = arith.addf %add3A_771, %reshape3A_711 : vector<16xf32>
      %add3A_773 = arith.addf %add3A_772, %reshape3A_718 : vector<16xf32>
      %add3A_774 = arith.addf %add3A_773, %reshape3A_725 : vector<16xf32>
      %add3A_775 = arith.addf %add3A_774, %reshape3A_732 : vector<16xf32>
      %add3A_776 = arith.addf %add3A_775, %reshape3A_739 : vector<16xf32>
      %add3A_777 = arith.addf %add3A_776, %reshape3A_746 : vector<16xf32>
      %add3A_778 = arith.addf %add3A_777, %reshape3A_753 : vector<16xf32>
      %add3A_779 = arith.addf %add3A_778, %reshape3A_760 : vector<16xf32>
      %add3A_780 = arith.addf %add3A_779, %reshape3A_29 : vector<16xf32>
      %sub3A_781 = arith.subf %add3A_780, %reshape3A_760 : vector<16xf32>
      %add3A_782 = arith.addf %sub3A_781, %reshape3A_29 : vector<16xf32>
      %sub3A_783 = arith.subf %add3A_782, %reshape3A_753 : vector<16xf32>
      %sub3A_784 = arith.subf %add3A_780, %reshape3A_627 : vector<16xf32>
      %add3A_785 = arith.addf %sub3A_784, %reshape3A_29 : vector<16xf32>
      %sub3A_786 = arith.subf %add3A_785, %reshape3A_634 : vector<16xf32>
      %swap3A_787 = arith.constant 0 : i32
      %swap3A_788 = arith.index_cast %scan3A_38 : i32 to index
      %swap3A_789 = arith.index_cast %swap3A_787 : i32 to index
      %swap3A_790 = arith.constant 48 : index
      %swap3A_791 = tpu.vector_load %arg8[%swap3A_788, %swap3A_789, %swap3A_790] {strides = array<i32>} : memref<32x4x64xf32, #tpu.memory_space<vmem>>, vector<1x1x16xf32>,
      %swap3A_792 = vector.shape_cast %swap3A_791 : vector<1x1x16xf32> to vector<16xf32>
      %swap3A_793 = vector.shape_cast %sub3A_781 : vector<16xf32> to vector<1x1x16xf32>
      tpu.vector_store %arg8[%swap3A_788, %swap3A_789, %swap3A_790], %swap3A_793 {strides = array<i32>} : memref<32x4x64xf32, #tpu.memory_space<vmem>>, vector<1x1x16xf32>,
      %swap3A_794 = arith.constant 1 : i32
      %swap3A_795 = arith.index_cast %scan3A_38 : i32 to index
      %swap3A_796 = arith.index_cast %swap3A_794 : i32 to index
      %swap3A_797 = arith.constant 48 : index
      %swap3A_798 = tpu.vector_load %arg8[%swap3A_795, %swap3A_796, %swap3A_797] {strides = array<i32>} : memref<32x4x64xf32, #tpu.memory_space<vmem>>, vector<1x1x16xf32>,
      %swap3A_799 = vector.shape_cast %swap3A_798 : vector<1x1x16xf32> to vector<16xf32>
      %swap3A_800 = vector.shape_cast %sub3A_783 : vector<16xf32> to vector<1x1x16xf32>
      tpu.vector_store %arg8[%swap3A_795, %swap3A_796, %swap3A_797], %swap3A_800 {strides = array<i32>} : memref<32x4x64xf32, #tpu.memory_space<vmem>>, vector<1x1x16xf32>,
      %swap3A_801 = arith.constant 2 : i32
      %swap3A_802 = arith.index_cast %scan3A_38 : i32 to index
      %swap3A_803 = arith.index_cast %swap3A_801 : i32 to index
      %swap3A_804 = arith.constant 48 : index
      %swap3A_805 = tpu.vector_load %arg8[%swap3A_802, %swap3A_803, %swap3A_804] {strides = array<i32>} : memref<32x4x64xf32, #tpu.memory_space<vmem>>, vector<1x1x16xf32>,
      %swap3A_806 = vector.shape_cast %swap3A_805 : vector<1x1x16xf32> to vector<16xf32>
      %swap3A_807 = vector.shape_cast %sub3A_784 : vector<16xf32> to vector<1x1x16xf32>
      tpu.vector_store %arg8[%swap3A_802, %swap3A_803, %swap3A_804], %swap3A_807 {strides = array<i32>} : memref<32x4x64xf32, #tpu.memory_space<vmem>>, vector<1x1x16xf32>,
      %swap3A_808 = arith.constant 3 : i32
      %swap3A_809 = arith.index_cast %scan3A_38 : i32 to index
      %swap3A_810 = arith.index_cast %swap3A_808 : i32 to index
      %swap3A_811 = arith.constant 48 : index
      %swap3A_812 = tpu.vector_load %arg8[%swap3A_809, %swap3A_810, %swap3A_811] {strides = array<i32>} : memref<32x4x64xf32, #tpu.memory_space<vmem>>, vector<1x1x16xf32>,
      %swap3A_813 = vector.shape_cast %swap3A_812 : vector<1x1x16xf32> to vector<16xf32>
      %swap3A_814 = vector.shape_cast %sub3A_786 : vector<16xf32> to vector<1x1x16xf32>
      tpu.vector_store %arg8[%swap3A_809, %swap3A_810, %swap3A_811], %swap3A_814 {strides = array<i32>} : memref<32x4x64xf32, #tpu.memory_space<vmem>>, vector<1x1x16xf32>,
    }
    %scan3A_35 = arith.constant 32 : i32
    %mul3A_36 = arith.constant 32 : i32
    %mul3A_37 = arith.muli %add3A, %mul3A_36 : i32
    "tpu.region"() ({
      %run_scoped3A_38 = tpu.sem_alloc : memref<!tpu.dma_semaphore, #tpu.memory_space<semaphore_mem>>
      %dma_start3A = arith.constant 0 : i32
      %dma_start3A_39 = arith.constant 0 : i32
      %dma_start3A_40 = tpu.memref_slice %arg4[%mul3A_37, %dma_start3A, %dma_start3A_39] : memref<1024x4x64xf32, #tpu.memory_space<hbm>> -> memref<32x4x64xf32, #tpu.memory_space<hbm>>
      %dma_start3A_41 = arith.constant 0 : i32
      %dma_start3A_42 = arith.constant 0 : i32
      %dma_start3A_43 = tpu.memref_slice %arg4[%mul3A_37, %dma_start3A_41, %dma_start3A_42] : memref<1024x4x64xf32, #tpu.memory_space<hbm>> -> memref<32x4x64xf32, #tpu.memory_space<hbm>>
      tpu.enqueue_dma source(%arg8 : memref<32x4x64xf32, #tpu.memory_space<vmem>>) target(%dma_start3A_43 : memref<32x4x64xf32, #tpu.memory_space<hbm>>) target_semaphore(%run_scoped3A_38 : memref<!tpu.dma_semaphore, #tpu.memory_space<semaphore_mem>>)
      %dma_wait3A = arith.constant 0 : i32
      %dma_wait3A_44 = arith.constant 0 : i32
      %dma_wait3A_45 = tpu.memref_slice %arg4[%mul3A_37, %dma_wait3A, %dma_wait3A_44] : memref<1024x4x64xf32, #tpu.memory_space<hbm>> -> memref<32x4x64xf32, #tpu.memory_space<hbm>>
      %dma_wait3A_46 = arith.constant 0 : i32
      %dma_wait3A_47 = arith.constant 0 : i32
      %dma_wait3A_48 = tpu.memref_slice %arg4[%mul3A_37, %dma_wait3A_46, %dma_wait3A_47] : memref<1024x4x64xf32, #tpu.memory_space<hbm>> -> memref<32x4x64xf32, #tpu.memory_space<hbm>>
      tpu.wait_dma2 semaphore(%run_scoped3A_38 : memref<!tpu.dma_semaphore, #tpu.memory_space<semaphore_mem>>) src(%arg8 : memref<32x4x64xf32, #tpu.memory_space<vmem>>) dst(%dma_wait3A_48 : memref<32x4x64xf32, #tpu.memory_space<hbm>>)
      tpu.yield
    }) : () -> ()
    return
  }
}

</mosaic_0001>

<sc_bundles>
// kernel: kernel.3.cloned.1.call-start
scs
__scs_entry_jumppad:
0x0: {  	(pc) =	sbr.rel $0x88, $3  }
0x1: {  	(tag) =	ssettag $0x0;
	lr =	simm.s32 $0x1  }
0x2: {  	[smem:$0x3F9F] =	sst lr;
	_ =	strace $0xD0000000  }
0x3: {  	_ = 	snop  }
0x4: {  	_ = 	snop  }
0x5: {  	_ = 	snop  }
0x6: {  	_ = 	snop  }
0x7: {  	_ = 	snop  }
__scs_overlays_trampoline_lowered:
0x8: {  	[smem:$0x3FAE] =	sst s0  }
0x9: {  	[smem:$0x3FAF] =	sst s1  }
0xa: {  	[smem:$0x3FB0] =	sst s2  }
0xb: {  	[smem:$0x3FB1] =	sst s3  }
0xc: {  	[smem:$0x3FB2] =	sst s4  }
0xd: {  	[smem:$0x3FB3] =	sst s5  }
0xe: {  	[smem:$0x3FB4] =	sst s6  }
0xf: {  	[smem:$0x3FB5] =	sst s7  }
0x10: {  	[smem:$0x3FB6] =	sst s8  }
0x11: {  	[smem:$0x3FB7] =	sst s9;
	s0 =	simm.s32 @!p0 $0x0  }
0x12: {  	s1 =	sld [smem:$0x3F9D];
	s0 =	simm.s32 @p0 $0x1  }
0x13: {  	[smem:$0x3FB8] =	sst s0;
	s0 =	simm.s32 @!p1 $0x0  }
0x14: {  	s2 =	sld [smem:$0x3F9C];
	s0 =	simm.s32 @p1 $0x1  }
0x15: {  	[smem:$0x3FB9] =	sst s0;
	s0 =	simm.s32 @!p2 $0x0  }
0x16: {  	s3 =	sld [smem:$0x3FDB];
	s0 =	simm.s32 @p2 $0x1  }
0x17: {  	s4 =	simm.s32 $0x1BF5;
	[smem:$0x3FBB] =	sst s0  }
0x18: {  	s0 =	sld [smem:$0x3F9E];
	_ =	swait.ge [sflag:s4], $0x0  }
0x19: {  	s7 =	sld [smem:$0x3F9F]  }
0x1a: {  	s8 =	sadd.s32 $0xFFFFE003, lr  }
0x1b: {  	s9 =	sadd.s32 $0xFFFFFEF7, lr;
	s5 =	simm.s32 $0xFFFFFFFF;
	p2 =	slt.u32 s8, $0xFFFFF086  }
0x1c: {  	p1 =	slt.u32 s9, $0xF7A;
	s5 =	simm.s32 @!p2 $0x0  }
0x1d: {  	s5 =	simm.s32 @p1 $0x1;
	p0 =	seq.s32 s7, s2  }
0x1e: {  	s7 =	smul.u32 @!p0 $0xF7A, s2;
	p2 =	seq.s32 @!p0 s5, $0x0  }
0x1f: {  	s9 =	smul.u32 $0xF7A, s1;
	s8 =	simm.s32 @!p0 $0x1BF5;
	p2 =	por !p2, p0  }
0x20: {  	[sflag:s8] =	ssyncset.s32 @!p0 $0xFFFFF086;
	s6 =	sadd.s32 @!p0 s3, s7;
	s7 =	simm.s32 @!p0 $0x108  }
0x21: {  	s3 =	sadd.s32 s3, s9;
	s6 =	sadd.s32 @!p0 $0x88, s6;
	s7 =	simm.s32 @p2 $0x1082  }
0x22: {  	[simem:s7], [sflag:s8] =	dma.local @!p0 [hbm:s6], $0xF7A  }
0x23: {  	s9 =	sor.u32 $0xD0000000, s2;
	s6 =	simm.s32 $0x108;
	_ =	swait.ge @!p0 [sflag:s8], $0x0  }
0x24: {  	s3 =	sadd.s32 $0x88, s3;
	s6 =	simm.s32 @!p1 $0x1082;
	[sflag:s4] =	ssyncset.s32 $0xFFFFF086  }
0x25: {  	[simem:s6], [sflag:s4] =	dma.local [hbm:s3], $0xF7A  }
0x26: {  	[smem:$0x3F9F] =	sst s1;
	(tag) =	ssettag s2;
	_ =	strace s9  }
0x27: {  	s1 =	sld [smem:$0x3FAF]  }
0x28: {  	s2 =	sld [smem:$0x3FB0]  }
0x29: {  	s4 =	sld [smem:$0x3FB2]  }
0x2a: {  	p0 =	seq.s32 s5, $0x0;
	s5 =	sld [smem:$0x3FB3]  }
0x2b: {  	s6 =	sld [smem:$0x3FB4]  }
0x2c: {  	s7 =	sld [smem:$0x3FB5]  }
0x2d: {  	s3 =	simm.s32 $0x108;
	s8 =	sld [smem:$0x3FB6]  }
0x2e: {  	s3 =	simm.s32 @!p0 $0x1082;
	s9 =	sld [smem:$0x3FB7]  }
0x2f: {  	lr =	sadd.s32 s0, s3;
	s0 =	sld [smem:$0x3FAE]  }
0x30: {  	s3 =	sld [smem:$0x3FB1]  }
0x31: {  	[smem:$0x3FBA] =	sst s10  }
0x32: {  	s10 =	sld [smem:$0x3FB8];
	_ =	sdelay $0x3  }
0x33: {  	p0 =	seq.s32 s10, $0x1;
	s10 =	sld [smem:$0x3FBA];
	_ =	sdelay $0x3  }
0x34: {  	[smem:$0x3FBA] =	sst s10  }
0x35: {  	s10 =	sld [smem:$0x3FB9];
	_ =	sdelay $0x3  }
0x36: {  	p1 =	seq.s32 s10, $0x1;
	s10 =	sld [smem:$0x3FBA];
	_ =	sdelay $0x3  }
0x37: {  	[smem:$0x3FBA] =	sst s10  }
0x38: {  	s10 =	sld [smem:$0x3FBB]  }
0x39: {  	_ = 	snop;
	(pc) =	sbr.ind lr, $3  }
0x3a: {  	_ = 	snop  }
0x3b: {  	_ = 	snop  }
0x3c: {  	p2 =	seq.s32 s10, $0x1;
	s10 =	sld [smem:$0x3FBA]  }
0x3d: {  	_ =	shalt  }
0x3e: {  	_ =	shalt  }
0x3f: {  	_ =	shalt  }
0x40: {  	_ =	shalt  }
0x41: {  	_ =	shalt  }
0x42: {  	_ =	shalt  }
0x43: {  	_ =	shalt  }
0x44: {  	_ =	shalt  }
0x45: {  	_ =	shalt  }
0x46: {  	_ =	shalt  }
0x47: {  	_ =	shalt  }
0x48: {  	_ =	shalt  }
0x49: {  	_ =	shalt  }
0x4a: {  	_ =	shalt  }
0x4b: {  	_ =	shalt  }
0x4c: {  	_ =	shalt  }
0x4d: {  	_ =	shalt  }
0x4e: {  	_ =	shalt  }
0x4f: {  	_ =	shalt  }
0x50: {  	_ =	shalt  }
0x51: {  	_ =	shalt  }
0x52: {  	_ =	shalt  }
0x53: {  	_ =	shalt  }
0x54: {  	_ =	shalt  }
0x55: {  	_ =	shalt  }
0x56: {  	_ =	shalt  }
0x57: {  	_ =	shalt  }
0x58: {  	_ =	shalt  }
0x59: {  	_ =	shalt  }
0x5a: {  	_ =	shalt  }
0x5b: {  	_ =	shalt  }
0x5c: {  	_ =	shalt  }
0x5d: {  	_ =	shalt  }
0x5e: {  	_ =	shalt  }
0x5f: {  	_ =	shalt  }
0x60: {  	_ =	shalt  }
0x61: {  	_ =	shalt  }
0x62: {  	_ =	shalt  }
0x63: {  	_ =	shalt  }
0x64: {  	_ =	shalt  }
0x65: {  	_ =	shalt  }
0x66: {  	_ =	shalt  }
0x67: {  	_ =	shalt  }
0x68: {  	_ =	shalt  }
0x69: {  	_ =	shalt  }
0x6a: {  	_ =	shalt  }
0x6b: {  	_ =	shalt  }
0x6c: {  	_ =	shalt  }
0x6d: {  	_ =	shalt  }
0x6e: {  	_ =	shalt  }
0x6f: {  	_ =	shalt  }
0x70: {  	_ =	shalt  }
0x71: {  	_ =	shalt  }
0x72: {  	_ =	shalt  }
0x73: {  	_ =	shalt  }
0x74: {  	_ =	shalt  }
0x75: {  	_ =	shalt  }
0x76: {  	_ =	shalt  }
0x77: {  	_ =	shalt  }
0x78: {  	_ =	shalt  }
0x79: {  	_ =	shalt  }
0x7a: {  	_ =	shalt  }
0x7b: {  	_ =	shalt  }
0x7c: {  	_ =	shalt  }
0x7d: {  	_ =	shalt  }
0x7e: {  	_ =	shalt  }
0x7f: {  	_ =	shalt  }
0x80: {  	_ =	shalt  }
0x81: {  	_ =	shalt  }
0x82: {  	_ =	shalt  }
0x83: {  	_ =	shalt  }
0x84: {  	_ =	shalt  }
0x85: {  	_ =	shalt  }
0x86: {  	_ =	shalt  }
0x87: {  	_ =	shalt  }
.Lfunc_end0:
.L_simem_size_0:
called_computation_lowered:
.L_overlay_start_0:
0x88: {  	s2 =	sld [smem:$0x3FD9]  }
0x89: {  	s3 =	sld [smem:$0x3FFE];
	_ =	sdelay $0x1  }
0x8a: {  	s1 =	srdreg.scid  }
0x8b: {  	s0 =	sand.u32 $0x1, s1  }
0x8c: {  	s17 =	sshll.u32 s0, $0xA;
	s2 =	sadd.s32 s3, s2  }
0x8d: {  	s2 =	sadd.s32 s2, s17  }
0x8e: {  	[smem:$0x3FC6] =	sst s2  }
0x8f: {  	_ = 	snop  }
0x90: {  	s2 =	sld [smem:$0x3FD0];
	(tm) =	ssettm $0x1  }
0x91: {  	s18 =	sld [smem:$0x3FFB];
	_ =	sdelay $0x3  }
0x92: {  	_ =	strace s18  }
0x93: {  	s3 =	sld [smem:$0x3FFC];
	_ =	sdelay $0x3  }
0x94: {  	_ =	strace s3  }
0x95: {  	s3 =	sld [smem:$0x3FFD];
	_ =	sdelay $0x3  }
0x96: {  	_ =	strace s3  }
0x97: {  	_ =	strace $0x8FFFFFFF  }
0x98: {  	s19 =	sld [smem:$0x3FDB];
	_ =	sdelay $0x1  }
0x99: {  	s4 =	simm.s32 $_scs_section_size  }
0x9a: {  	s5 =	simm.s32 $_size__tile_overlayer_lowered;
	s6 =	simm.s32 $_tile_overlayer_lowered  }
0x9b: {  	s22 =	simm.s32 $0x1BFF;
	s21 =	sshll.u32 s6, $0x1;
	s3 =	sadd.s32 s4, s19  }
0x9c: {  	s7 =	simm.s32 $0x0;
	s20 =	sshll.u32 s5, $0x1;
	s5 =	sadd.s32 s21, s3  }
0x9d: {  	[timem:s7], [sflag:s22] =	dma.local [hbm:s5], s20  }
0x9e: {  	_ =	swait.ge [sflag:s22], s20  }
0x9f: {  	s4 =	ssub.s32 $0x0, s20;
	[sflag:s22] =	ssyncset.done $0x0  }
0xa0: {  	[sflag:s22] =	ssyncadd.s32 s4;
	_ =	sdelay $0x1  }
0xa1: {  	s23 =	simm.s32 $0x1B8B  }
0xa2: {  	_ =	swait.ge [sflag:s23], $0x1  }
0xa3: {  	[sflag:s23] =	ssyncset.done $0x0  }
0xa4: {  	s25 =	simm.s32 $0x1B8E;
	s24 =	sld [smem:$0x3FFE];
	[sflag:s23] =	ssyncadd.s32 $0xFFFFFFFF  }
0xa5: {  	s26 =	simm.s32 $execute0_lowered;
	[smem:$0x3FD2] =	sst s25  }
0xa6: {  	s5 =	sshll.u32 s26, $0x1;
	_ =	strace $0x80000046;
	[dreg:$0x1] =	wrdreg $0xFFFFFFFF  }
0xa7: {  	s28 =	simm.s32 $_size_execute0_lowered;
	s3 =	sadd.s32 s3, s5;
	[dreg:$0x0] =	wrdreg $0x0  }
0xa8: {  	s5 =	sshll.u32 s28, $0x1;
	[dreg:$0x2] =	wrdreg s3  }
0xa9: {  	[dreg:$0x3] =	wrdreg s5  }
0xaa: {  	[dreg:$0x4] =	wrdreg $0xC0  }
0xab: {  	_ =	task [dreg:s7], $0x5FFFF  }
0xac: {  	[dreg:$0x1] =	wrdreg $0xFFFFFFFF  }
0xad: {  	[dreg:$0x0] =	wrdreg $0x60  }
0xae: {  	[dreg:$0x2] =	wrdreg s2  }
0xaf: {  	[dreg:$0x3] =	wrdreg s24  }
0xb0: {  	[dreg:$0x4] =	wrdreg $0x9  }
0xb1: {  	_ =	task.clear_ibuf [dreg:s7], $0x5FFFF;
	_ =	strace $0x90000046  }
0xb2: {  	s29 =	simm.s32 $0x9;
	_ =	strace $0x80000048  }
0xb3: {  	_ =	swait.ge [sflag:s29], $0x1  }
0xb4: {  	[sflag:s29] =	ssyncadd.s32 $0xFFFFFFFF  }
0xb5: {  	_ =	strace $0x90000048  }
0xb6: {  	_ =	sfence  }
0xb7: {  	s30 =	sld [smem:$0x0];
	_ =	sdelay $0x2  }
0xb8: {  	s31 =	sshll.u32 s1, $0xD;
	s1 =	sshrl.u32 s1, $0x2  }
0xb9: {  	s3 =	sand.u32 $0x4000, s31;
	s1 =	sadd.s32 s1, s30  }
0xba: {  	s0 =	sor.u32 s3, s0;
	s1 =	sshll.u32 s1, $0x11  }
0xbb: {  	s0 =	sor.u32 s1, s0  }
0xbc: {  	s0 =	sadd.s32 $0x8F2B, s0  }
0xbd: {  	[sflag:s0] =	ssyncadd.remote.s32 $0x1  }
0xbe: {  	_ =	sfence.sel $0xFFFF  }
0xbf: {  	[dreg:$0x0] =	wrdreg $0xFFFFFFFF;
	(pc) =	sbr.abs _section_cstart, $3  }
0xc0: {  	[dreg:$0x1] =	wrdreg $0xFFFFFFFF  }
0xc1: {  	_ =	task.clear_ibuf [dreg:s7], $0x2FFFF;
	_ =	strace $0x9FFFFFFF  }
0xc2: {  	(tm) =	ssettm $0x7FFFFFFF  }
0xc3: {  	_ =	shalt  }
tec
execute0_lowered:
.L_overlay_start_1:
0x0: {  	(tag) =	ssettag $0x1  }
0x1: {  	s4 =	rddreg [dreg:$0x0]  }
0x2: {  	s5 =	rddreg [dreg:$0x1]  }
0x3: {  	s2 =	srdreg.scid;
	s0 =	stileid.u32  }
0x4: {  	s10 =	simm.s32 $0x14300;
	s11 =	simm.s32 $0x1;
	s12 =	simm.s32 $0x14380  }
0x5: {  	s13 =	simm.s32 $0x0;
	s6 =	sand.u32 $0x1, s2;
	s3 =	sshll.u32 s0, $0x1  }
0x6: {  	s2 =	simm.s32 $0x0;
	s29 =	sshrl.u32 s0, $0x2;
	s7 =	sor.u32 s6, s3  }
0x7: {  	[smem:$0x7FF] =	sst s2;
	s8 =	smul.u32 $0x1400, s29;
	s3 =	sadd.s32 $0x400, s5  }
0x8: {  	s6 =	ssub.s32 $0x2, s6;
	s30 =	sshll.u32 s7, $0x7;
	_ =	strace $0x80000047  }
0x9: {  	s7 =	sshll.u32 s7, $0xB;
	s31 =	sshrl.u32 s6, $0x1;
	s9 =	sand.u32 $0x380, s30  }
0xa: {  	s5 =	sadd.s32 s7, s5;
	s6 =	ssub.s32 s6, s31;
	s8 =	sor.u32 s8, s9  }
0xb: {  	s5 =	sadd.s32 $0xF42800, s5;
	s6 =	smax.u32 s6, $0x1;
	s8 =	sshrl.u32 s8, $0x3  }
0xc: {  	s9 =	simm.s32 $0x2;
	s4 =	sadd.s32 s4, s8;
	s8 =	simm.s32 $0x400  }
.LBB2_1:
0xd: {  	s0 =	simm.s32 $0x80  }
0xe: {  	[tilespmem:s2], [sflag:$0x2] =	stream.strided.gather [hbm4b:s4+s0], $0x280, s8, s0, $0x38;
	[tilespmem:$0x18380] =	vst v63  }
0xf: {  	_ =	swait.ge [sflag:s9], $0x280  }
0x10: {  	[sflag:s9] =	ssyncset.done $0x0  }
0x11: {  	[sflag:s9] =	ssyncadd.s32 $0xFFFFFD80  }
0x12: {  	[tilespmem:s10], [sflag:$0x2] =	stream.linear.gather [hbm4b:s3+s2], $0x80, $0x38;
	[tilespmem:$0x18380] =	vst v63  }
0x13: {  	_ =	swait.ge [sflag:s9], $0x80  }
0x14: {  	[sflag:s9] =	ssyncset.done $0x0  }
0x15: {  	[sflag:s9] =	ssyncadd.s32 $0xFFFFFF80  }
0x16: {  	v0 =	vld [tilespmem:s2+$0x0];
	_ =	sdelay $0x4  }
0x17: {  	v0 =	vshll.u32 v0, $0x4  }
0x18: {  	(v2sf) =	vpush v0, $0x0  }
0x19: {  	(v2sf) =	vpush v0, $0x1  }
0x1a: {  	(v2sf) =	vpush v0, $0x2;
	_ =	sdelay $0x1  }
0x1b: {  	(v2sf) =	vpush v0, $0x4;
	_ =	sdelay $0x1  }
0x1c: {  	(v2sf) =	vpush v0, $0x3  }
0x1d: {  	(v2sf) =	vpush v0, $0x5  }
0x1e: {  	s15 =	simm.s32 $0x2000;
	s14 =	simm.s32 $0x0;
	s16 =	simm.s32 $0x0;
	(v2sf) =	vpush v0, $0x6  }
.LBB2_2:
0x1f: {  	p0 =	sne.s32 s15, $0x4E000  }
0x20: {  	s26 =	sadd.s32 $0x380, s14;
	s20 =	sadd.s32 $0x880, s14;
	s17 =	smov.u32 s15  }
0x21: {  	s15 =	sadd.s32 $0x2000, s15;
	s23 =	sadd.s32 $0x680, s14;
	s18 =	sadd.s32 $0x900, s14;
	(v2sf) =	vpush v0, $0x7  }
0x22: {  	s25 =	sadd.s32 $0x580, s14;
	s22 =	sadd.s32 $0x700, s14;
	s19 =	sadd.s32 $0x980, s14  }
0x23: {  	s28 =	sadd.s32 $0x300, s14;
	s29 =	sadd.s32 $0x500, s14;
	(v2sf) =	vpush v0, $0x8  }
0x24: {  	s30 =	sadd.s32 $0x600, s14;
	s16 =	sadd.s32 $0x10, s16  }
0x25: {  	s31 =	sadd.s32 $0x400, s14;
	s21 =	sadd.s32 $0x800, s14;
	s24 =	spop (v2sf);
	(v2sf) =	vpush v0, $0x9  }
0x26: {  	s0 =	sand.u32 $0x1FFFFFF0, s24;
	s24 =	sadd.s32 $0x780, s14;
	s1 =	spop (v2sf)  }
0x27: {  	s0 =	sadd.s32 s3, s0;
	s1 =	sand.u32 $0x1FFFFFF0, s1;
	s7 =	spop (v2sf);
	(v2sf) =	vpush v0, $0xA  }
0x28: {  	[tilespmem:s28], [sflag:$0x1] =	stream.linear.gather [hbm4b:s0+s2], $0x80, $0x38;
	[tilespmem:$0x18380] =	vst v63  }
0x29: {  	s0 =	sadd.s32 s3, s1;
	s1 =	sadd.s32 $0x480, s14;
	s28 =	spop (v2sf);
	(v2sf) =	vpush v0, $0xB  }
0x2a: {  	[tilespmem:s26], [sflag:$0x1] =	stream.linear.gather [hbm4b:s0+s2], $0x80, $0x38;
	[tilespmem:$0x18380] =	vst v63  }
0x2b: {  	s0 =	sand.u32 $0x1FFFFFF0, s7;
	s7 =	sand.u32 $0x1FFFFFF0, s28;
	s26 =	spop (v2sf);
	(v2sf) =	vpush v0, $0xC  }
0x2c: {  	s0 =	sadd.s32 s3, s0;
	s26 =	sand.u32 $0x1FFFFFF0, s26;
	s28 =	spop (v2sf)  }
0x2d: {  	[tilespmem:s31], [sflag:$0x1] =	stream.linear.gather [hbm4b:s0+s2], $0x80, $0x38;
	(v2sf) =	vpush v0, $0xD;
	[tilespmem:$0x18380] =	vst v63  }
0x2e: {  	s0 =	sadd.s32 s3, s26;
	s26 =	sand.u32 $0x1FFFFFF0, s28;
	s28 =	spop (v2sf)  }
0x2f: {  	[tilespmem:s1], [sflag:$0x1] =	stream.linear.gather [hbm4b:s0+s2], $0x80, $0x38;
	(v2sf) =	vpush v0, $0xE;
	[tilespmem:$0x18380] =	vst v63  }
0x30: {  	s0 =	sadd.s32 s3, s7;
	s1 =	sand.u32 $0x1FFFFFF0, s28;
	s7 =	spop (v2sf)  }
0x31: {  	[tilespmem:s29], [sflag:$0x1] =	stream.linear.gather [hbm4b:s0+s2], $0x80, $0x38;
	(v2sf) =	vpush v0, $0xF;
	[tilespmem:$0x18380] =	vst v63  }
0x32: {  	s0 =	sadd.s32 s3, s26;
	s7 =	sand.u32 $0x1FFFFFF0, s7;
	s26 =	spop (v2sf)  }
0x33: {  	[tilespmem:s25], [sflag:$0x1] =	stream.linear.gather [hbm4b:s0+s2], $0x80, $0x38;
	[tilespmem:$0x18380] =	vst v63  }
0x34: {  	s0 =	sadd.s32 s3, s1;
	s1 =	sand.u32 $0x1FFFFFF0, s26;
	s25 =	spop (v2sf)  }
0x35: {  	[tilespmem:s30], [sflag:$0x1] =	stream.linear.gather [hbm4b:s0+s2], $0x80, $0x38;
	[tilespmem:$0x18380] =	vst v63  }
0x36: {  	s0 =	sadd.s32 s3, s7;
	s7 =	sand.u32 $0x1FFFFFF0, s25;
	s25 =	spop (v2sf)  }
0x37: {  	[tilespmem:s23], [sflag:$0x1] =	stream.linear.gather [hbm4b:s0+s2], $0x80, $0x38;
	[tilespmem:$0x18380] =	vst v63  }
0x38: {  	s0 =	sadd.s32 s3, s1;
	s1 =	sand.u32 $0x1FFFFFF0, s25;
	s23 =	spop (v2sf)  }
0x39: {  	[tilespmem:s22], [sflag:$0x1] =	stream.linear.gather [hbm4b:s0+s2], $0x80, $0x38;
	[tilespmem:$0x18380] =	vst v63  }
0x3a: {  	s0 =	sadd.s32 s3, s7;
	s7 =	sand.u32 $0x1FFFFFF0, s23;
	s22 =	spop (v2sf)  }
0x3b: {  	[tilespmem:s24], [sflag:$0x1] =	stream.linear.gather [hbm4b:s0+s2], $0x80, $0x38;
	[tilespmem:$0x18380] =	vst v63  }
0x3c: {  	s0 =	sadd.s32 s3, s1;
	s1 =	sand.u32 $0x1FFFFFF0, s22;
	s22 =	spop (v2sf)  }
0x3d: {  	[tilespmem:s21], [sflag:$0x1] =	stream.linear.gather [hbm4b:s0+s2], $0x80, $0x38;
	[tilespmem:$0x18380] =	vst v63  }
0x3e: {  	s0 =	sadd.s32 s3, s7;
	s7 =	sand.u32 $0x1FFFFFF0, s22;
	s21 =	spop (v2sf)  }
0x3f: {  	[tilespmem:s20], [sflag:$0x1] =	stream.linear.gather [hbm4b:s0+s2], $0x80, $0x38;
	[tilespmem:$0x18380] =	vst v63  }
0x40: {  	s0 =	sadd.s32 s3, s1;
	s1 =	sand.u32 $0x1FFFFFF0, s21;
	s20 =	spop (v2sf)  }
0x41: {  	[tilespmem:s18], [sflag:$0x1] =	stream.linear.gather [hbm4b:s0+s2], $0x80, $0x38;
	[tilespmem:$0x18380] =	vst v63  }
0x42: {  	s0 =	sadd.s32 s3, s7;
	s7 =	sand.u32 $0x1FFFFFF0, s20  }
0x43: {  	[tilespmem:s19], [sflag:$0x1] =	stream.linear.gather [hbm4b:s0+s2], $0x80, $0x38;
	[tilespmem:$0x18380] =	vst v63  }
0x44: {  	s1 =	sadd.s32 s3, s1;
	s0 =	sadd.s32 $0xA00, s14  }
0x45: {  	[tilespmem:s0], [sflag:$0x1] =	stream.linear.gather [hbm4b:s1+s2], $0x80, $0x38;
	[tilespmem:$0x18380] =	vst v63  }
0x46: {  	s0 =	sadd.s32 $0xA80, s14;
	s1 =	sadd.s32 s3, s7  }
0x47: {  	[tilespmem:s0], [sflag:$0x1] =	stream.linear.gather [hbm4b:s1+s2], $0x80, $0x38;
	[tilespmem:$0x18380] =	vst v63  }
0x48: {  	v0 =	vld [tilespmem:s16+$0x0];
	_ =	sdelay $0x4  }
0x49: {  	v0 =	vshll.u32 v0, $0x4  }
0x4a: {  	(v2sf) =	vpush v0, $0x0  }
0x4b: {  	(v2sf) =	vpush v0, $0x1  }
0x4c: {  	(v2sf) =	vpush v0, $0x2;
	_ =	sdelay $0x1  }
0x4d: {  	(v2sf) =	vpush v0, $0x4  }
.Ltmp0:
0x4e: {  	(pc) =	sbr.rel @p0 .LBB2_2-.Ltmp0, $3  }
0x4f: {  	(v2sf) =	vpush v0, $0x3  }
0x50: {  	(v2sf) =	vpush v0, $0x5;
	_ =	sdelay $0x1  }
0x51: {  	s14 =	sshra.s32 s17, $0x2;
	(v2sf) =	vpush v0, $0x6  }
0x52: {  	_ =	sdelay $0x1  }
0x53: {  	s0 =	sadd.s32 $0x380, s14;
	s17 =	sadd.s32 $0x880, s14  }
0x54: {  	s1 =	sadd.s32 $0x680, s14;
	s15 =	sadd.s32 $0x900, s14;
	(v2sf) =	vpush v0, $0x7;
	s7 =	sadd.s32 $0x580, s14  }
0x55: {  	s18 =	sadd.s32 $0x700, s14;
	s16 =	sadd.s32 $0x980, s14;
	s19 =	sadd.s32 $0x300, s14  }
0x56: {  	s20 =	sadd.s32 $0x500, s14;
	s21 =	sadd.s32 $0x600, s14;
	(v2sf) =	vpush v0, $0x8;
	s22 =	spop (v2sf)  }
0x57: {  	s23 =	sadd.s32 $0x400, s14;
	s22 =	sand.u32 $0x1FFFFFF0, s22;
	s24 =	spop (v2sf)  }
0x58: {  	(v2sf) =	vpush v0, $0x9;
	s22 =	sadd.s32 s3, s22;
	s24 =	sand.u32 $0x1FFFFFF0, s24;
	s25 =	spop (v2sf)  }
0x59: {  	[tilespmem:s19], [sflag:$0x1] =	stream.linear.gather [hbm4b:s22+s2], $0x80, $0x38;
	[tilespmem:$0x18380] =	vst v63  }
0x5a: {  	(v2sf) =	vpush v0, $0xA;
	s26 =	sadd.s32 s3, s24;
	s29 =	sand.u32 $0x1FFFFFF0, s25;
	s28 =	spop (v2sf)  }
0x5b: {  	[tilespmem:s0], [sflag:$0x1] =	stream.linear.gather [hbm4b:s26+s2], $0x80, $0x38;
	[tilespmem:$0x18380] =	vst v63  }
0x5c: {  	s19 =	sadd.s32 $0x800, s14;
	(v2sf) =	vpush v0, $0xB;
	s22 =	sadd.s32 s3, s29;
	s30 =	spop (v2sf)  }
0x5d: {  	s0 =	sadd.s32 $0x780, s14;
	s26 =	sadd.s32 $0x480, s14;
	s25 =	sand.u32 $0x1FFFFFF0, s30  }
0x5e: {  	(v2sf) =	vpush v0, $0xC;
	[tilespmem:s23], [sflag:$0x1] =	stream.linear.gather [hbm4b:s22+s2], $0x80, $0x38;
	[tilespmem:$0x18380] =	vst v63  }
0x5f: {  	s31 =	sand.u32 $0x1FFFFFF0, s28;
	s28 =	spop (v2sf);
	s29 =	sadd.s32 s3, s25  }
0x60: {  	(v2sf) =	vpush v0, $0xD;
	[tilespmem:s26], [sflag:$0x1] =	stream.linear.gather [hbm4b:s29+s2], $0x80, $0x38;
	[tilespmem:$0x18380] =	vst v63  }
0x61: {  	s22 =	sadd.s32 s3, s31;
	s23 =	sand.u32 $0x1FFFFFF0, s28;
	s30 =	spop (v2sf)  }
0x62: {  	(v2sf) =	vpush v0, $0xE;
	[tilespmem:s20], [sflag:$0x1] =	stream.linear.gather [hbm4b:s22+s2], $0x80, $0x38;
	[tilespmem:$0x18380] =	vst v63  }
0x63: {  	s23 =	sadd.s32 s3, s23;
	s31 =	sand.u32 $0x1FFFFFF0, s30;
	s24 =	spop (v2sf)  }
0x64: {  	(v2sf) =	vpush v0, $0xF;
	[tilespmem:s7], [sflag:$0x1] =	stream.linear.gather [hbm4b:s23+s2], $0x80, $0x38;
	[tilespmem:$0x18380] =	vst v63  }
0x65: {  	s25 =	sand.u32 $0x1FFFFFF0, s24;
	s26 =	spop (v2sf);
	s20 =	sadd.s32 s3, s31  }
0x66: {  	[tilespmem:s21], [sflag:$0x1] =	stream.linear.gather [hbm4b:s20+s2], $0x80, $0x38;
	[tilespmem:$0x18380] =	vst v63  }
0x67: {  	s28 =	sand.u32 $0x1FFFFFF0, s26;
	s7 =	sadd.s32 s3, s25;
	s29 =	spop (v2sf)  }
0x68: {  	[tilespmem:s1], [sflag:$0x1] =	stream.linear.gather [hbm4b:s7+s2], $0x80, $0x38;
	[tilespmem:$0x18380] =	vst v63  }
0x69: {  	s20 =	sadd.s32 s3, s28;
	s30 =	sand.u32 $0x1FFFFFF0, s29;
	s31 =	spop (v2sf)  }
0x6a: {  	[tilespmem:s18], [sflag:$0x1] =	stream.linear.gather [hbm4b:s20+s2], $0x80, $0x38;
	[tilespmem:$0x18380] =	vst v63  }
0x6b: {  	s7 =	sand.u32 $0x1FFFFFF0, s31;
	s1 =	sadd.s32 s3, s30;
	s20 =	spop (v2sf)  }
0x6c: {  	[tilespmem:s0], [sflag:$0x1] =	stream.linear.gather [hbm4b:s1+s2], $0x80, $0x38;
	[tilespmem:$0x18380] =	vst v63  }
0x6d: {  	s7 =	sadd.s32 s3, s7;
	s21 =	sand.u32 $0x1FFFFFF0, s20;
	s22 =	spop (v2sf)  }
0x6e: {  	[tilespmem:s19], [sflag:$0x1] =	stream.linear.gather [hbm4b:s7+s2], $0x80, $0x38;
	[tilespmem:$0x18380] =	vst v63  }
0x6f: {  	s0 =	sadd.s32 s3, s21;
	s1 =	sand.u32 $0x1FFFFFF0, s22;
	s23 =	spop (v2sf)  }
0x70: {  	[tilespmem:s17], [sflag:$0x1] =	stream.linear.gather [hbm4b:s0+s2], $0x80, $0x38;
	[tilespmem:$0x18380] =	vst v63  }
0x71: {  	s24 =	sand.u32 $0x1FFFFFF0, s23;
	s1 =	sadd.s32 s3, s1;
	s25 =	spop (v2sf)  }
0x72: {  	[tilespmem:s15], [sflag:$0x1] =	stream.linear.gather [hbm4b:s1+s2], $0x80, $0x38;
	[tilespmem:$0x18380] =	vst v63  }
0x73: {  	s26 =	sand.u32 $0x1FFFFFF0, s25;
	s28 =	spop (v2sf);
	s0 =	sadd.s32 s3, s24  }
0x74: {  	[tilespmem:s16], [sflag:$0x1] =	stream.linear.gather [hbm4b:s0+s2], $0x80, $0x38;
	[tilespmem:$0x18380] =	vst v63  }
0x75: {  	s30 =	sadd.s32 $0xA00, s14;
	s29 =	sand.u32 $0x1FFFFFF0, s28;
	s1 =	sadd.s32 s3, s26  }
0x76: {  	[tilespmem:s30], [sflag:$0x1] =	stream.linear.gather [hbm4b:s1+s2], $0x80, $0x38;
	[tilespmem:$0x18380] =	vst v63  }
0x77: {  	s31 =	sadd.s32 $0xA80, s14;
	s0 =	sadd.s32 s3, s29  }
0x78: {  	[tilespmem:s31], [sflag:$0x1] =	stream.linear.gather [hbm4b:s0+s2], $0x80, $0x38;
	[tilespmem:$0x18380] =	vst v63  }
0x79: {  	_ =	swait.ge [sflag:s11], $0x80  }
0x7a: {  	s14 =	simm.s32 $0x27F;
	[sflag:s11] =	ssyncset.done $0x0  }
.LBB2_4:
0x7b: {  	p0 =	sne.s32 s14, $0x1;
	s14 =	sadd.s32 $0xFFFFFFFF, s14;
	[sflag:s11] =	ssyncadd.s32 $0xFFFFFF80  }
.Ltmp1:
0x7c: {  	(pc) =	sbr.rel @p0 .LBB2_4-.Ltmp1, $3  }
0x7d: {  	_ =	sdelay $0x1  }
0x7e: {  	_ =	swait.ge [sflag:s11], $0x80  }
0x7f: {  	[sflag:s11] =	ssyncset.done $0x0  }
0x80: {  	[sflag:s11] =	ssyncadd.s32 $0xFFFFFF80;
	s14 =	simm.s32 $0x800  }
0x81: {  	v4 =	vld [tilespmem:s14+$0xFFFFFB80]  }
0x82: {  	v1 =	vld [tilespmem:s14+$0xFFFFFB00];
	_ =	sdelay $0x1  }
0x83: {  	v0 =	vld [tilespmem:s14+$0xFFFFFC00];
	_ =	sdelay $0x1  }
0x84: {  	v2 =	vld [tilespmem:s14+$0xFFFFFC80]  }
0x85: {  	v3 =	vadd.f32 v4, v1  }
0x86: {  	v5 =	vld [tilespmem:s14+$0xFFFFFD00]  }
0x87: {  	v0 =	vadd.f32 v0, v3  }
0x88: {  	v3 =	vld [tilespmem:s14+$0xFFFFFD80]  }
0x89: {  	v0 =	vadd.f32 v2, v0  }
0x8a: {  	v2 =	vld [tilespmem:s14+$0xFFFFFE00]  }
0x8b: {  	v0 =	vadd.f32 v5, v0  }
0x8c: {  	v5 =	vld [tilespmem:s14+$0xFFFFFE80]  }
0x8d: {  	v0 =	vadd.f32 v3, v0  }
0x8e: {  	v3 =	vld [tilespmem:s14+$0xFFFFFF00]  }
0x8f: {  	v0 =	vadd.f32 v2, v0  }
0x90: {  	v2 =	vld [tilespmem:s14+$0xFFFFFF80]  }
0x91: {  	v0 =	vadd.f32 v5, v0  }
0x92: {  	v5 =	vld [tilespmem:s14+$0x0]  }
0x93: {  	v0 =	vadd.f32 v3, v0  }
0x94: {  	v3 =	vld [tilespmem:s14+$0x80]  }
0x95: {  	v0 =	vadd.f32 v2, v0  }
0x96: {  	v2 =	vld [tilespmem:s14+$0x100]  }
0x97: {  	v0 =	vadd.f32 v5, v0  }
0x98: {  	v5 =	vld [tilespmem:s14+$0x180]  }
0x99: {  	v0 =	vadd.f32 v3, v0  }
0x9a: {  	v3 =	vld [tilespmem:s14+$0x200]  }
0x9b: {  	v0 =	vadd.f32 v2, v0  }
0x9c: {  	v2 =	vld [tilespmem:s14+$0x280]  }
0x9d: {  	v0 =	vadd.f32 v5, v0  }
0x9e: {  	v5 =	vld [tilespmem:s14+$0x300]  }
0x9f: {  	v0 =	vadd.f32 v3, v0  }
0xa0: {  	v3 =	vld [tilespmem:s14+$0x380]  }
0xa1: {  	v0 =	vadd.f32 v2, v0  }
0xa2: {  	v6 =	vld [tilespmem:s14+$0x400]  }
0xa3: {  	v0 =	vadd.f32 v5, v0  }
0xa4: {  	v2 =	vld [tilespmem:s14+$0x480]  }
0xa5: {  	v3 =	vadd.f32 v3, v0  }
0xa6: {  	v0 =	vld [tilespmem:$0x14300]  }
0xa7: {  	v3 =	vadd.f32 v6, v3;
	_ =	sdelay $0x1  }
0xa8: {  	v3 =	vadd.f32 v2, v3;
	_ =	sdelay $0x1  }
0xa9: {  	v3 =	vadd.f32 v3, v0;
	_ =	sdelay $0x1  }
0xaa: {  	v5 =	vsub.f32 v3, v2  }
0xab: {  	v7 =	vsub.f32 v3, v1  }
0xac: {  	v2 =	vld [tilespmem:$0x14310];
	v8 =	vadd.f32 v5, v0  }
0xad: {  	s15 =	simm.s32 $0x0;
	v3 =	vld [tilespmem:$0x14320];
	v9 =	vadd.f32 v7, v0  }
0xae: {  	v1 =	vld [tilespmem:$0x14330];
	[tilespmem:s15+$0x14380] =	vst v5;
	v5 =	vsub.f32 v8, v6  }
0xaf: {  	[tilespmem:s15+$0x14480] =	vst v7;
	v4 =	vsub.f32 v9, v4  }
0xb0: {  	[tilespmem:s15+$0x14400] =	vst v5  }
0xb1: {  	[tilespmem:s15+$0x14500] =	vst v4  }
0xb2: {  	v4 =	vld [tilespmem:s14+$0xFFFFFB10]  }
0xb3: {  	v5 =	vld [tilespmem:s14+$0xFFFFFB90];
	_ =	sdelay $0x1  }
0xb4: {  	v6 =	vld [tilespmem:s14+$0xFFFFFC10];
	_ =	sdelay $0x1  }
0xb5: {  	v7 =	vld [tilespmem:s14+$0xFFFFFC90]  }
0xb6: {  	v8 =	vadd.f32 v5, v4  }
0xb7: {  	v9 =	vld [tilespmem:s14+$0xFFFFFD10]  }
0xb8: {  	v6 =	vadd.f32 v6, v8  }
0xb9: {  	v8 =	vld [tilespmem:s14+$0xFFFFFD90]  }
0xba: {  	v6 =	vadd.f32 v7, v6  }
0xbb: {  	v7 =	vld [tilespmem:s14+$0xFFFFFE10]  }
0xbc: {  	v6 =	vadd.f32 v9, v6  }
0xbd: {  	v9 =	vld [tilespmem:s14+$0xFFFFFE90]  }
0xbe: {  	v6 =	vadd.f32 v8, v6  }
0xbf: {  	v8 =	vld [tilespmem:s14+$0xFFFFFF10]  }
0xc0: {  	v6 =	vadd.f32 v7, v6  }
0xc1: {  	v7 =	vld [tilespmem:s14+$0xFFFFFF90]  }
0xc2: {  	v6 =	vadd.f32 v9, v6  }
0xc3: {  	v9 =	vld [tilespmem:s14+$0x10]  }
0xc4: {  	v6 =	vadd.f32 v8, v6  }
0xc5: {  	v8 =	vld [tilespmem:s14+$0x90]  }
0xc6: {  	v6 =	vadd.f32 v7, v6  }
0xc7: {  	v7 =	vld [tilespmem:s14+$0x110]  }
0xc8: {  	v6 =	vadd.f32 v9, v6  }
0xc9: {  	v9 =	vld [tilespmem:s14+$0x190]  }
0xca: {  	v6 =	vadd.f32 v8, v6  }
0xcb: {  	v8 =	vld [tilespmem:s14+$0x210]  }
0xcc: {  	v6 =	vadd.f32 v7, v6  }
0xcd: {  	v7 =	vld [tilespmem:s14+$0x290]  }
0xce: {  	v6 =	vadd.f32 v9, v6  }
0xcf: {  	v9 =	vld [tilespmem:s14+$0x310]  }
0xd0: {  	v6 =	vadd.f32 v8, v6  }
0xd1: {  	v8 =	vld [tilespmem:s14+$0x390]  }
0xd2: {  	v6 =	vadd.f32 v7, v6  }
0xd3: {  	v7 =	vld [tilespmem:s14+$0x410]  }
0xd4: {  	v6 =	vadd.f32 v9, v6  }
0xd5: {  	v9 =	vld [tilespmem:s14+$0x490]  }
0xd6: {  	v6 =	vadd.f32 v8, v6;
	_ =	sdelay $0x1  }
0xd7: {  	v6 =	vadd.f32 v7, v6;
	_ =	sdelay $0x1  }
0xd8: {  	v6 =	vadd.f32 v9, v6;
	_ =	sdelay $0x1  }
0xd9: {  	v6 =	vadd.f32 v6, v2;
	_ =	sdelay $0x1  }
0xda: {  	v8 =	vsub.f32 v6, v9  }
0xdb: {  	v4 =	vsub.f32 v6, v4  }
0xdc: {  	v6 =	vadd.f32 v8, v2  }
0xdd: {  	v9 =	vadd.f32 v4, v2  }
0xde: {  	[tilespmem:s15+$0x14390] =	vst v8;
	v6 =	vsub.f32 v6, v7  }
0xdf: {  	[tilespmem:s15+$0x14490] =	vst v4;
	v4 =	vsub.f32 v9, v5  }
0xe0: {  	[tilespmem:s15+$0x14410] =	vst v6  }
0xe1: {  	[tilespmem:s15+$0x14510] =	vst v4  }
0xe2: {  	v4 =	vld [tilespmem:s14+$0xFFFFFB20]  }
0xe3: {  	v5 =	vld [tilespmem:s14+$0xFFFFFBA0];
	_ =	sdelay $0x1  }
0xe4: {  	v6 =	vld [tilespmem:s14+$0xFFFFFC20];
	_ =	sdelay $0x1  }
0xe5: {  	v7 =	vld [tilespmem:s14+$0xFFFFFCA0]  }
0xe6: {  	v8 =	vadd.f32 v5, v4  }
0xe7: {  	v9 =	vld [tilespmem:s14+$0xFFFFFD20]  }
0xe8: {  	v6 =	vadd.f32 v6, v8  }
0xe9: {  	v8 =	vld [tilespmem:s14+$0xFFFFFDA0]  }
0xea: {  	v6 =	vadd.f32 v7, v6  }
0xeb: {  	v7 =	vld [tilespmem:s14+$0xFFFFFE20]  }
0xec: {  	v6 =	vadd.f32 v9, v6  }
0xed: {  	v9 =	vld [tilespmem:s14+$0xFFFFFEA0]  }
0xee: {  	v6 =	vadd.f32 v8, v6  }
0xef: {  	v8 =	vld [tilespmem:s14+$0xFFFFFF20]  }
0xf0: {  	v6 =	vadd.f32 v7, v6  }
0xf1: {  	v7 =	vld [tilespmem:s14+$0xFFFFFFA0]  }
0xf2: {  	v6 =	vadd.f32 v9, v6  }
0xf3: {  	v9 =	vld [tilespmem:s14+$0x20]  }
0xf4: {  	v6 =	vadd.f32 v8, v6  }
0xf5: {  	v8 =	vld [tilespmem:s14+$0xA0]  }
0xf6: {  	v6 =	vadd.f32 v7, v6  }
0xf7: {  	v7 =	vld [tilespmem:s14+$0x120]  }
0xf8: {  	v6 =	vadd.f32 v9, v6  }
0xf9: {  	v9 =	vld [tilespmem:s14+$0x1A0]  }
0xfa: {  	v6 =	vadd.f32 v8, v6  }
0xfb: {  	v8 =	vld [tilespmem:s14+$0x220]  }
0xfc: {  	v6 =	vadd.f32 v7, v6  }
0xfd: {  	v7 =	vld [tilespmem:s14+$0x2A0]  }
0xfe: {  	v6 =	vadd.f32 v9, v6  }
0xff: {  	v9 =	vld [tilespmem:s14+$0x320]  }
0x100: {  	v6 =	vadd.f32 v8, v6  }
0x101: {  	v8 =	vld [tilespmem:s14+$0x3A0]  }
0x102: {  	v6 =	vadd.f32 v7, v6  }
0x103: {  	v7 =	vld [tilespmem:s14+$0x420]  }
0x104: {  	v6 =	vadd.f32 v9, v6  }
0x105: {  	v9 =	vld [tilespmem:s14+$0x4A0]  }
0x106: {  	v6 =	vadd.f32 v8, v6;
	_ =	sdelay $0x1  }
0x107: {  	v6 =	vadd.f32 v7, v6;
	_ =	sdelay $0x1  }
0x108: {  	v6 =	vadd.f32 v9, v6;
	_ =	sdelay $0x1  }
0x109: {  	v6 =	vadd.f32 v6, v3;
	_ =	sdelay $0x1  }
0x10a: {  	v8 =	vsub.f32 v6, v9  }
0x10b: {  	v4 =	vsub.f32 v6, v4  }
0x10c: {  	v6 =	vadd.f32 v8, v3  }
0x10d: {  	v9 =	vadd.f32 v4, v3  }
0x10e: {  	[tilespmem:s15+$0x143A0] =	vst v8;
	v6 =	vsub.f32 v6, v7  }
0x10f: {  	[tilespmem:s15+$0x144A0] =	vst v4;
	v4 =	vsub.f32 v9, v5  }
0x110: {  	[tilespmem:s15+$0x14420] =	vst v6  }
0x111: {  	[tilespmem:s15+$0x14520] =	vst v4  }
0x112: {  	v5 =	vld [tilespmem:s14+$0xFFFFFB30]  }
0x113: {  	v4 =	vld [tilespmem:s14+$0xFFFFFBB0];
	_ =	sdelay $0x1  }
0x114: {  	v6 =	vld [tilespmem:s14+$0xFFFFFC30];
	_ =	sdelay $0x1  }
0x115: {  	v7 =	vld [tilespmem:s14+$0xFFFFFCB0]  }
0x116: {  	v8 =	vadd.f32 v4, v5  }
0x117: {  	v9 =	vld [tilespmem:s14+$0xFFFFFD30]  }
0x118: {  	v6 =	vadd.f32 v6, v8  }
0x119: {  	v8 =	vld [tilespmem:s14+$0xFFFFFDB0]  }
0x11a: {  	v6 =	vadd.f32 v7, v6  }
0x11b: {  	v7 =	vld [tilespmem:s14+$0xFFFFFE30]  }
0x11c: {  	v6 =	vadd.f32 v9, v6  }
0x11d: {  	v9 =	vld [tilespmem:s14+$0xFFFFFEB0]  }
0x11e: {  	v6 =	vadd.f32 v8, v6  }
0x11f: {  	v8 =	vld [tilespmem:s14+$0xFFFFFF30]  }
0x120: {  	v6 =	vadd.f32 v7, v6  }
0x121: {  	v7 =	vld [tilespmem:s14+$0xFFFFFFB0]  }
0x122: {  	v6 =	vadd.f32 v9, v6  }
0x123: {  	v9 =	vld [tilespmem:s14+$0x30]  }
0x124: {  	v6 =	vadd.f32 v8, v6  }
0x125: {  	v8 =	vld [tilespmem:s14+$0xB0]  }
0x126: {  	v6 =	vadd.f32 v7, v6  }
0x127: {  	v7 =	vld [tilespmem:s14+$0x130]  }
0x128: {  	v6 =	vadd.f32 v9, v6  }
0x129: {  	v9 =	vld [tilespmem:s14+$0x1B0]  }
0x12a: {  	v6 =	vadd.f32 v8, v6  }
0x12b: {  	v8 =	vld [tilespmem:s14+$0x230]  }
0x12c: {  	v6 =	vadd.f32 v7, v6  }
0x12d: {  	v7 =	vld [tilespmem:s14+$0x2B0]  }
0x12e: {  	v6 =	vadd.f32 v9, v6  }
0x12f: {  	v9 =	vld [tilespmem:s14+$0x330]  }
0x130: {  	v6 =	vadd.f32 v8, v6  }
0x131: {  	v8 =	vld [tilespmem:s14+$0x3B0]  }
0x132: {  	v7 =	vadd.f32 v7, v6  }
0x133: {  	v6 =	vld [tilespmem:s14+$0x430]  }
0x134: {  	v9 =	vadd.f32 v9, v7  }
0x135: {  	v7 =	vld [tilespmem:s14+$0x4B0]  }
0x136: {  	v8 =	vadd.f32 v8, v9;
	_ =	sdelay $0x1  }
0x137: {  	v8 =	vadd.f32 v6, v8;
	_ =	sdelay $0x1  }
0x138: {  	s16 =	simm.s32 $0x800;
	v8 =	vadd.f32 v7, v8  }
.LBB2_6:
0x139: {  	p0 =	sne.s32 s16, $0xF800  }
0x13a: {  	s14 =	sadd.s32 $0xA00, s14;
	s17 =	smov.u32 s16;
	s16 =	sadd.s32 $0x800, s16  }
0x13b: {  	v8 =	vadd.f32 v8, v1;
	_ =	sdelay $0x1  }
0x13c: {  	v7 =	vsub.f32 v8, v7;
	v5 =	vsub.f32 v8, v5;
	_ =	sdelay $0x1  }
0x13d: {  	v8 =	vadd.f32 v7, v1;
	v9 =	vadd.f32 v5, v1;
	[tilespmem:s15+$0x144B0] =	vst v5  }
0x13e: {  	[tilespmem:s15+$0x143B0] =	vst v7  }
0x13f: {  	v5 =	vsub.f32 v8, v6;
	v4 =	vsub.f32 v9, v4;
	_ =	sdelay $0x1  }
0x140: {  	[tilespmem:s15+$0x14430] =	vst v5  }
0x141: {  	[tilespmem:s15+$0x14530] =	vst v4  }
0x142: {  	v4 =	vld [tilespmem:s14+$0xFFFFFB80]  }
0x143: {  	v5 =	vld [tilespmem:s14+$0xFFFFFB00];
	_ =	sdelay $0x1  }
0x144: {  	v6 =	vld [tilespmem:s14+$0xFFFFFC00]  }
0x145: {  	v7 =	vld [tilespmem:s14+$0xFFFFFC80]  }
0x146: {  	v8 =	vld [tilespmem:s14+$0xFFFFFD00]  }
0x147: {  	v9 =	vadd.f32 v4, v5;
	_ =	sdelay $0x1  }
0x148: {  	v6 =	vadd.f32 v6, v9  }
0x149: {  	v9 =	vld [tilespmem:s14+$0xFFFFFD80]  }
0x14a: {  	v6 =	vadd.f32 v7, v6  }
0x14b: {  	v7 =	vld [tilespmem:s14+$0xFFFFFE00]  }
0x14c: {  	v6 =	vadd.f32 v8, v6  }
0x14d: {  	v8 =	vld [tilespmem:s14+$0xFFFFFE80]  }
0x14e: {  	v6 =	vadd.f32 v9, v6  }
0x14f: {  	v9 =	vld [tilespmem:s14+$0xFFFFFF00]  }
0x150: {  	v6 =	vadd.f32 v7, v6  }
0x151: {  	v7 =	vld [tilespmem:s14+$0xFFFFFF80]  }
0x152: {  	v6 =	vadd.f32 v8, v6  }
0x153: {  	v8 =	vld [tilespmem:s14+$0x0]  }
0x154: {  	v6 =	vadd.f32 v9, v6  }
0x155: {  	v9 =	vld [tilespmem:s14+$0x80]  }
0x156: {  	v6 =	vadd.f32 v7, v6  }
0x157: {  	v7 =	vld [tilespmem:s14+$0x100]  }
0x158: {  	v6 =	vadd.f32 v8, v6  }
0x159: {  	v8 =	vld [tilespmem:s14+$0x180]  }
0x15a: {  	v6 =	vadd.f32 v9, v6  }
0x15b: {  	v9 =	vld [tilespmem:s14+$0x200]  }
0x15c: {  	v6 =	vadd.f32 v7, v6  }
0x15d: {  	v7 =	vld [tilespmem:s14+$0x280]  }
0x15e: {  	v6 =	vadd.f32 v8, v6  }
0x15f: {  	v8 =	vld [tilespmem:s14+$0x300]  }
0x160: {  	v6 =	vadd.f32 v9, v6  }
0x161: {  	v9 =	vld [tilespmem:s14+$0x380]  }
0x162: {  	v6 =	vadd.f32 v7, v6  }
0x163: {  	v7 =	vld [tilespmem:s14+$0x400]  }
0x164: {  	v6 =	vadd.f32 v8, v6  }
0x165: {  	v8 =	vld [tilespmem:s14+$0x480]  }
0x166: {  	v6 =	vadd.f32 v9, v6;
	_ =	sdelay $0x1  }
0x167: {  	v6 =	vadd.f32 v7, v6;
	_ =	sdelay $0x1  }
0x168: {  	v6 =	vadd.f32 v8, v6;
	_ =	sdelay $0x1  }
0x169: {  	v6 =	vadd.f32 v6, v0;
	_ =	sdelay $0x1  }
0x16a: {  	v8 =	vsub.f32 v6, v8;
	v5 =	vsub.f32 v6, v5  }
0x16b: {  	s15 =	sshra.s32 s17, $0x2  }
0x16c: {  	v6 =	vadd.f32 v8, v0;
	v9 =	vadd.f32 v5, v0;
	[tilespmem:s15+$0x14380] =	vst v8;
	_ =	sdelay $0x1  }
0x16d: {  	v6 =	vsub.f32 v6, v7;
	v4 =	vsub.f32 v9, v4  }
0x16e: {  	[tilespmem:s15+$0x14480] =	vst v5  }
0x16f: {  	[tilespmem:s15+$0x14400] =	vst v6  }
0x170: {  	[tilespmem:s15+$0x14500] =	vst v4  }
0x171: {  	v4 =	vld [tilespmem:s14+$0xFFFFFB10]  }
0x172: {  	v5 =	vld [tilespmem:s14+$0xFFFFFB90];
	_ =	sdelay $0x1  }
0x173: {  	v6 =	vld [tilespmem:s14+$0xFFFFFC10];
	_ =	sdelay $0x1  }
0x174: {  	v7 =	vld [tilespmem:s14+$0xFFFFFC90]  }
0x175: {  	v8 =	vadd.f32 v5, v4  }
0x176: {  	v9 =	vld [tilespmem:s14+$0xFFFFFD10]  }
0x177: {  	v6 =	vadd.f32 v6, v8  }
0x178: {  	v8 =	vld [tilespmem:s14+$0xFFFFFD90]  }
0x179: {  	v6 =	vadd.f32 v7, v6  }
0x17a: {  	v7 =	vld [tilespmem:s14+$0xFFFFFE10]  }
0x17b: {  	v6 =	vadd.f32 v9, v6  }
0x17c: {  	v9 =	vld [tilespmem:s14+$0xFFFFFE90]  }
0x17d: {  	v6 =	vadd.f32 v8, v6  }
0x17e: {  	v8 =	vld [tilespmem:s14+$0xFFFFFF10]  }
0x17f: {  	v6 =	vadd.f32 v7, v6  }
0x180: {  	v7 =	vld [tilespmem:s14+$0xFFFFFF90]  }
0x181: {  	v6 =	vadd.f32 v9, v6  }
0x182: {  	v9 =	vld [tilespmem:s14+$0x10]  }
0x183: {  	v6 =	vadd.f32 v8, v6  }
0x184: {  	v8 =	vld [tilespmem:s14+$0x90]  }
0x185: {  	v6 =	vadd.f32 v7, v6  }
0x186: {  	v7 =	vld [tilespmem:s14+$0x110]  }
0x187: {  	v6 =	vadd.f32 v9, v6  }
0x188: {  	v9 =	vld [tilespmem:s14+$0x190]  }
0x189: {  	v6 =	vadd.f32 v8, v6  }
0x18a: {  	v8 =	vld [tilespmem:s14+$0x210]  }
0x18b: {  	v6 =	vadd.f32 v7, v6  }
0x18c: {  	v7 =	vld [tilespmem:s14+$0x290]  }
0x18d: {  	v6 =	vadd.f32 v9, v6  }
0x18e: {  	v9 =	vld [tilespmem:s14+$0x310]  }
0x18f: {  	v6 =	vadd.f32 v8, v6  }
0x190: {  	v8 =	vld [tilespmem:s14+$0x390]  }
0x191: {  	v6 =	vadd.f32 v7, v6  }
0x192: {  	v7 =	vld [tilespmem:s14+$0x410]  }
0x193: {  	v6 =	vadd.f32 v9, v6  }
0x194: {  	v9 =	vld [tilespmem:s14+$0x490]  }
0x195: {  	v6 =	vadd.f32 v8, v6;
	_ =	sdelay $0x1  }
0x196: {  	v6 =	vadd.f32 v7, v6;
	_ =	sdelay $0x1  }
0x197: {  	v6 =	vadd.f32 v9, v6;
	_ =	sdelay $0x1  }
0x198: {  	v6 =	vadd.f32 v6, v2;
	_ =	sdelay $0x1  }
0x199: {  	v8 =	vsub.f32 v6, v9;
	v4 =	vsub.f32 v6, v4;
	_ =	sdelay $0x1  }
0x19a: {  	v6 =	vadd.f32 v8, v2;
	v9 =	vadd.f32 v4, v2;
	[tilespmem:s15+$0x14390] =	vst v8  }
0x19b: {  	[tilespmem:s15+$0x14490] =	vst v4  }
0x19c: {  	v4 =	vsub.f32 v6, v7;
	v5 =	vsub.f32 v9, v5;
	_ =	sdelay $0x1  }
0x19d: {  	[tilespmem:s15+$0x14410] =	vst v4  }
0x19e: {  	[tilespmem:s15+$0x14510] =	vst v5  }
0x19f: {  	v4 =	vld [tilespmem:s14+$0xFFFFFB20]  }
0x1a0: {  	v5 =	vld [tilespmem:s14+$0xFFFFFBA0]  }
0x1a1: {  	v6 =	vld [tilespmem:s14+$0xFFFFFCA0]  }
0x1a2: {  	v7 =	vld [tilespmem:s14+$0xFFFFFC20];
	_ =	sdelay $0x2  }
0x1a3: {  	v8 =	vadd.f32 v5, v4  }
0x1a4: {  	v9 =	vld [tilespmem:s14+$0xFFFFFD20]  }
0x1a5: {  	v7 =	vadd.f32 v7, v8  }
0x1a6: {  	v8 =	vld [tilespmem:s14+$0xFFFFFDA0]  }
0x1a7: {  	v6 =	vadd.f32 v6, v7  }
0x1a8: {  	v7 =	vld [tilespmem:s14+$0xFFFFFE20]  }
0x1a9: {  	v6 =	vadd.f32 v9, v6  }
0x1aa: {  	v9 =	vld [tilespmem:s14+$0xFFFFFEA0]  }
0x1ab: {  	v6 =	vadd.f32 v8, v6  }
0x1ac: {  	v8 =	vld [tilespmem:s14+$0xFFFFFF20]  }
0x1ad: {  	v6 =	vadd.f32 v7, v6  }
0x1ae: {  	v7 =	vld [tilespmem:s14+$0xFFFFFFA0]  }
0x1af: {  	v6 =	vadd.f32 v9, v6  }
0x1b0: {  	v9 =	vld [tilespmem:s14+$0x20]  }
0x1b1: {  	v6 =	vadd.f32 v8, v6  }
0x1b2: {  	v8 =	vld [tilespmem:s14+$0xA0]  }
0x1b3: {  	v6 =	vadd.f32 v7, v6  }
0x1b4: {  	v7 =	vld [tilespmem:s14+$0x120]  }
0x1b5: {  	v6 =	vadd.f32 v9, v6  }
0x1b6: {  	v9 =	vld [tilespmem:s14+$0x1A0]  }
0x1b7: {  	v6 =	vadd.f32 v8, v6  }
0x1b8: {  	v8 =	vld [tilespmem:s14+$0x220]  }
0x1b9: {  	v6 =	vadd.f32 v7, v6  }
0x1ba: {  	v7 =	vld [tilespmem:s14+$0x2A0]  }
0x1bb: {  	v6 =	vadd.f32 v9, v6  }
0x1bc: {  	v9 =	vld [tilespmem:s14+$0x320]  }
0x1bd: {  	v6 =	vadd.f32 v8, v6  }
0x1be: {  	v8 =	vld [tilespmem:s14+$0x3A0]  }
0x1bf: {  	v6 =	vadd.f32 v7, v6  }
0x1c0: {  	v7 =	vld [tilespmem:s14+$0x420]  }
0x1c1: {  	v6 =	vadd.f32 v9, v6  }
0x1c2: {  	v9 =	vld [tilespmem:s14+$0x4A0]  }
0x1c3: {  	v6 =	vadd.f32 v8, v6;
	_ =	sdelay $0x1  }
0x1c4: {  	v6 =	vadd.f32 v7, v6;
	_ =	sdelay $0x1  }
0x1c5: {  	v6 =	vadd.f32 v9, v6;
	_ =	sdelay $0x1  }
0x1c6: {  	v6 =	vadd.f32 v6, v3;
	_ =	sdelay $0x1  }
0x1c7: {  	v8 =	vsub.f32 v6, v9;
	v4 =	vsub.f32 v6, v4;
	_ =	sdelay $0x1  }
0x1c8: {  	v6 =	vadd.f32 v8, v3;
	v9 =	vadd.f32 v4, v3;
	[tilespmem:s15+$0x143A0] =	vst v8  }
0x1c9: {  	[tilespmem:s15+$0x144A0] =	vst v4  }
0x1ca: {  	v4 =	vsub.f32 v6, v7;
	v5 =	vsub.f32 v9, v5;
	_ =	sdelay $0x1  }
0x1cb: {  	[tilespmem:s15+$0x14420] =	vst v4  }
0x1cc: {  	[tilespmem:s15+$0x14520] =	vst v5  }
0x1cd: {  	v5 =	vld [tilespmem:s14+$0xFFFFFB30]  }
0x1ce: {  	v4 =	vld [tilespmem:s14+$0xFFFFFBB0]  }
0x1cf: {  	v6 =	vld [tilespmem:s14+$0xFFFFFC30]  }
0x1d0: {  	v7 =	vld [tilespmem:s14+$0xFFFFFCB0]  }
0x1d1: {  	v8 =	vld [tilespmem:s14+$0xFFFFFD30]  }
0x1d2: {  	v9 =	vld [tilespmem:s14+$0xFFFFFDB0]  }
0x1d3: {  	v10 =	vld [tilespmem:s14+$0xFFFFFE30];
	v11 =	vadd.f32 v4, v5  }
0x1d4: {  	v12 =	vld [tilespmem:s14+$0xFFFFFEB0]  }
0x1d5: {  	v13 =	vld [tilespmem:s14+$0xFFFFFF30];
	v6 =	vadd.f32 v6, v11  }
0x1d6: {  	v11 =	vld [tilespmem:s14+$0xFFFFFFB0]  }
0x1d7: {  	v14 =	vld [tilespmem:s14+$0x30];
	v6 =	vadd.f32 v7, v6  }
0x1d8: {  	v15 =	vld [tilespmem:s14+$0xB0]  }
0x1d9: {  	v16 =	vld [tilespmem:s14+$0x130];
	v6 =	vadd.f32 v8, v6  }
0x1da: {  	v8 =	vld [tilespmem:s14+$0x1B0]  }
0x1db: {  	v17 =	vld [tilespmem:s14+$0x230];
	v6 =	vadd.f32 v9, v6  }
0x1dc: {  	v9 =	vld [tilespmem:s14+$0x2B0]  }
0x1dd: {  	v18 =	vld [tilespmem:s14+$0x330];
	v7 =	vadd.f32 v10, v6  }
0x1de: {  	v10 =	vld [tilespmem:s14+$0x3B0]  }
0x1df: {  	v6 =	vld [tilespmem:s14+$0x430];
	v12 =	vadd.f32 v12, v7  }
0x1e0: {  	v7 =	vld [tilespmem:s14+$0x4B0]  }
0x1e1: {  	v12 =	vadd.f32 v13, v12;
	_ =	sdelay $0x1  }
0x1e2: {  	v11 =	vadd.f32 v11, v12;
	_ =	sdelay $0x1  }
0x1e3: {  	v11 =	vadd.f32 v14, v11;
	_ =	sdelay $0x1  }
0x1e4: {  	v11 =	vadd.f32 v15, v11;
	_ =	sdelay $0x1  }
0x1e5: {  	v11 =	vadd.f32 v16, v11;
	_ =	sdelay $0x1  }
0x1e6: {  	v8 =	vadd.f32 v8, v11;
	_ =	sdelay $0x1  }
0x1e7: {  	v8 =	vadd.f32 v17, v8;
	_ =	sdelay $0x1  }
0x1e8: {  	v8 =	vadd.f32 v9, v8;
	_ =	sdelay $0x1  }
0x1e9: {  	v8 =	vadd.f32 v18, v8;
	_ =	sdelay $0x1  }
.Ltmp2:
0x1ea: {  	v8 =	vadd.f32 v10, v8;
	(pc) =	sbr.rel @p0 .LBB2_6-.Ltmp2, $3  }
0x1eb: {  	_ = 	snop  }
0x1ec: {  	v8 =	vadd.f32 v6, v8;
	_ =	sdelay $0x1  }
0x1ed: {  	v8 =	vadd.f32 v7, v8  }
0x1ee: {  	_ = 	snop  }
0x1ef: {  	v0 =	vadd.f32 v8, v1;
	_ =	sdelay $0x1  }
0x1f0: {  	v2 =	vsub.f32 v0, v7  }
0x1f1: {  	v0 =	vsub.f32 v0, v5  }
0x1f2: {  	v3 =	vadd.f32 v2, v1  }
0x1f3: {  	v62 =	vadd.f32 v0, v1  }
0x1f4: {  	[tilespmem:s15+$0x144B0] =	vst v0;
	v63 =	vsub.f32 v3, v6  }
0x1f5: {  	s13 =	sadd.s32 $0x1, s13;
	[tilespmem:s15+$0x143B0] =	vst v2;
	v1 =	vsub.f32 v62, v4  }
0x1f6: {  	p0 =	sne.s32 s13, s6;
	[tilespmem:s15+$0x14430] =	vst v63  }
.Ltmp3:
0x1f7: {  	[tilespmem:s15+$0x14530] =	vst v1;
	(pc) =	sbr.rel @p0 .LBB2_1-.Ltmp3, $4  }
0x1f8: {  	[hbm4b:s5+s2] =	stream.linear.scatter [tilespmem:s12], [sflag:$0x2], $0x4000, $0x38;
	[tilespmem:$0x18380] =	vst v63  }
0x1f9: {  	_ =	swait.ge [sflag:s9], $0x4000  }
0x1fa: {  	[sflag:s9] =	ssyncset.done $0x0  }
0x1fb: {  	[sflag:s9] =	ssyncadd.s32 $0xFFFFC000  }
0x1fc: {  	_ =	sfence.sel $0x180000  }
0x1fd: {  	[bflag:$0x0] =	sbarrier.arrive $0xFFFF  }
0x1fe: {  	_ =	strace $0x90000047  }
0x1ff: {  	s0 =	stileid.u32;
	[bflag:$0x2] =	sbarrier.arrive $0xFFFF  }
0x200: {  	p0 =	sne.s32 s0, $0x0;
	s0 =	rddreg [dreg:$0x2]  }
0x201: {  	s0 =	sadd.s32 @!p0 $0x100000, s0  }
0x202: {  	[sflag:s0] =	ssyncadd.tile.s32 @!p0 $0x1;
	_ =	shalt  }
.Lfunc_end2:
_tile_overlayer_lowered:
.L_overlay_start_2:
0x203: {  	(tag) =	ssettag $0x2  }
0x204: {  	s0 =	rddreg [dreg:$0x0];
	s2 =	stileid.u32  }
0x205: {  	s1 =	rddreg [dreg:$0x1];
	p0 =	sne.s32 s2, $0x0  }
0x206: {  	s3 =	rddreg [dreg:$0x2];
	[bflag:$0x3] =	sbarrier.arrive $0xFFFF;
	s2 =	simm.s32 @!p0 $0x1C02  }
0x207: {  	[timem:s3], [sflag:s2] =	dma.local @!p0 [hbm:s0], s1  }
0x208: {  	s0 =	simm.s32 @!p0 $0x2  }
0x209: {  	_ =	swait.ge @!p0 [sflag:s0], s1  }
0x20a: {  	s1 =	ssub.s32 @!p0 $0x0, s1;
	[sflag:s0] =	ssyncset.done @!p0 $0x0  }
0x20b: {  	[sflag:s0] =	ssyncadd.s32 @!p0 s1  }
0x20c: {  	[bflag:$0x3] =	sbarrier.arrive $0xFFFF  }
0x20d: {  	_ =	shalt  }

</sc_bundles>
